<compile_context>
chip_gen: v7x
topology: tpu7x:2x2x1
jax: 0.10.2.dev20260603
libtpu: 0.0.44.dev20260713+nightly
codegen_flags: <defaults>
</compile_context>

<pallas_src>
import functools

import jax
import jax.numpy as jnp
from jax import lax
from jax.experimental import pallas as pl
from jax.experimental.pallas import tpu as pltpu
from jax.experimental.pallas import tpu_sc as plsc

VOCAB = 100000
B = 16384
D = 128
H = 256

NC = 2
NS = 16
NW = NC * NS
CHUNK = 128
CH_PER_TABLE = (B // NW) // CHUNK
NBUF = 3


def _sc_gather(uids2d, vids2d, user_table, video_table):
    mesh = plsc.VectorSubcoreMesh(core_axis_name="c", subcore_axis_name="s")

    @functools.partial(
        pl.kernel,
        out_type=jax.ShapeDtypeStruct((2 * B, D), jnp.float32),
        mesh=mesh,
        scratch_types=[
            pltpu.VMEM((2 * CH_PER_TABLE, CHUNK), jnp.int32),
            [pltpu.VMEM((2 * CHUNK, D), jnp.float32) for _ in range(NBUF)],
            [pltpu.SemaphoreType.DMA for _ in range(NBUF)],
            [pltpu.SemaphoreType.DMA for _ in range(NBUF)],
        ],
    )
    def k(uids_hbm, vids_hbm, utab_hbm, vtab_hbm, out_hbm,
          idx_v, bufs, sems, wsems):
        wid = lax.axis_index("s") * NC + lax.axis_index("c")
        row0 = wid * CH_PER_TABLE
        icp_u = pltpu.make_async_copy(uids_hbm.at[pl.ds(row0, CH_PER_TABLE)],
                                      idx_v.at[pl.ds(0, CH_PER_TABLE)], wsems[0])
        icp_v = pltpu.make_async_copy(vids_hbm.at[pl.ds(row0, CH_PER_TABLE)],
                                      idx_v.at[pl.ds(CH_PER_TABLE, CH_PER_TABLE)],
                                      wsems[1])
        icp_u.start()
        icp_v.start()
        icp_u.wait()
        icp_v.wait()

        tabs = (utab_hbm, vtab_hbm)
        half = CH_PER_TABLE // 2
        total = 4 * half
        gathers = [None] * total
        scatters = [None] * (2 * half)

        def scatter_prev(dj):
            gathers[2 * dj].wait()
            gathers[2 * dj + 1].wait()
            t = dj // half
            base = t * B + wid * (B // NW) + (dj % half) * 2 * CHUNK
            sc = pltpu.make_async_copy(
                bufs[dj % NBUF], out_hbm.at[pl.ds(base, 2 * CHUNK)],
                wsems[dj % NBUF])
            sc.start()
            scatters[dj] = sc

        for dj in range(2 * half):
            b = dj % NBUF
            if dj >= NBUF:
                scatters[dj - NBUF].wait()
            t = dj // half
            for hh in range(2):
                j = 2 * dj + hh
                cp = pltpu.make_async_copy(
                    tabs[t].at[idx_v.at[t * CH_PER_TABLE + (dj % half) * 2 + hh]],
                    bufs[b].at[pl.ds(hh * CHUNK, CHUNK)], sems[b])
                cp.start()
                gathers[j] = cp
            if dj > 0:
                scatter_prev(dj - 1)
        scatter_prev(2 * half - 1)
        for dj in range(2 * half - NBUF, 2 * half):
            scatters[dj].wait()

    return k(uids2d, vids2d, user_table, video_table)


BLK = 4096


def _towers_body(xu_ref, xv_ref,
                 uw1_ref, ub1_ref, uw2_ref, ub2_ref,
                 vw1_ref, vb1_ref, vw2_ref, vb2_ref, out_ref):
    for t, (x_ref, w1_ref, b1_ref, w2_ref, b2_ref) in enumerate((
            (xu_ref, uw1_ref, ub1_ref, uw2_ref, ub2_ref),
            (xv_ref, vw1_ref, vb1_ref, vw2_ref, vb2_ref))):
        x = x_ref[...].astype(jnp.bfloat16)
        h = jnp.dot(x, w1_ref[...].astype(jnp.bfloat16),
                    preferred_element_type=jnp.float32)
        h = jnp.maximum(h + b1_ref[...], 0.0).astype(jnp.bfloat16)
        y = jnp.dot(h, w2_ref[...].astype(jnp.bfloat16),
                    preferred_element_type=jnp.float32)
        y = y + b2_ref[...]
        ss = jnp.sum(y * y, axis=1, keepdims=True)
        out_ref[t] = y * lax.rsqrt(jnp.maximum(ss, 1e-12))


def _tc_towers(emb, uW1, ub1, uW2, ub2, vW1, vb1, vW2, vb2):
    nblk = B // BLK
    wspec1 = pl.BlockSpec((D, H), lambda i: (0, 0))
    bspec1 = pl.BlockSpec((1, H), lambda i: (0, 0))
    wspec2 = pl.BlockSpec((H, D), lambda i: (0, 0))
    bspec2 = pl.BlockSpec((1, D), lambda i: (0, 0))
    return pl.pallas_call(
        _towers_body,
        grid=(nblk,),
        in_specs=[
            pl.BlockSpec((BLK, D), lambda i: (i, 0)),
            pl.BlockSpec((BLK, D), lambda i, n=nblk: (n + i, 0)),
            wspec1, bspec1, wspec2, bspec2,
            wspec1, bspec1, wspec2, bspec2,
        ],
        out_specs=pl.BlockSpec((2, BLK, D), lambda i: (0, i, 0)),
        out_shape=jax.ShapeDtypeStruct((2, B, D), jnp.float32),
    )(emb, emb, uW1, ub1, uW2, ub2, vW1, vb1, vW2, vb2)


def kernel(user_ids, video_ids, user_table, video_table,
           uW1, ub1, uW2, ub2, vW1, vb1, vW2, vb2):
    uids2d = user_ids.astype(jnp.int32).reshape(B // CHUNK, CHUNK)
    vids2d = video_ids.astype(jnp.int32).reshape(B // CHUNK, CHUNK)
    emb = _sc_gather(uids2d, vids2d, user_table, video_table)
    return _tc_towers(
        emb,
        uW1, ub1[None, :], uW2, ub2[None, :],
        vW1, vb1[None, :], vW2, vb2[None, :],
    )

# --- scband reference (transcript-rebuilt; emitter-appended) ---
"""Pipeline reference for scband-two-tower-model-66735201845971 (READ-ONLY COPY).

The authoritative reference and input builder live on the scoring server;
editing this copy changes nothing except your own understanding.
"""

import jax, jax.numpy as jnp
import numpy as np

VOCAB = 100000
B = 16384
D = 128
H = 256

def _l2norm(x):
    # tf.nn.l2_normalize: x * rsqrt(max(sum(x^2), eps)), eps=1e-12
    return x * jax.lax.rsqrt(jnp.maximum(jnp.sum(x * x, axis=1, keepdims=True), 1e-12))

def setup_inputs(seed: int = 0) -> dict:
    key = jax.random.key(seed)
    ks = jax.random.split(key, 12)
    return {
        "user_ids": jax.random.randint(ks[0], (B,), 0, VOCAB, dtype=jnp.int64) if jax.config.jax_enable_x64 else jax.random.randint(ks[0], (B,), 0, VOCAB),
        "video_ids": jax.random.randint(ks[1], (B,), 0, VOCAB),
        "user_table": jax.random.normal(ks[2], (VOCAB, D), dtype=jnp.float32) * 0.02,
        "video_table": jax.random.normal(ks[3], (VOCAB, D), dtype=jnp.float32) * 0.02,
        "uW1": jax.random.normal(ks[4], (D, H), dtype=jnp.float32) * (1.0 / np.sqrt(D)),
        "ub1": jnp.zeros((H,), dtype=jnp.float32),
        "uW2": jax.random.normal(ks[5], (H, D), dtype=jnp.float32) * (1.0 / np.sqrt(H)),
        "ub2": jnp.zeros((D,), dtype=jnp.float32),
        "vW1": jax.random.normal(ks[6], (D, H), dtype=jnp.float32) * (1.0 / np.sqrt(D)),
        "vb1": jnp.zeros((H,), dtype=jnp.float32),
        "vW2": jax.random.normal(ks[7], (H, D), dtype=jnp.float32) * (1.0 / np.sqrt(H)),
        "vb2": jnp.zeros((D,), dtype=jnp.float32),
    }

def reference(user_ids, video_ids, user_table, video_table, uW1, ub1, uW2, ub2, vW1, vb1, vW2, vb2):
    # user tower: StringLookup is modeled as precomputed integer ids
    u = jnp.take(user_table, user_ids, axis=0)
    u = jax.nn.relu(u @ uW1 + ub1)
    u = u @ uW2 + ub2
    u = _l2norm(u)
    # video tower
    v = jnp.take(video_table, video_ids, axis=0)
    v = jax.nn.relu(v @ vW1 + vb1)
    v = v @ vW2 + vb2
    v = _l2norm(v)
    return jnp.stack([u, v], axis=0)

if __name__ == "__main__":
    import jax
    _d = setup_inputs()
    print(jax.jit(kernel)(*tuple(_d.values())))

</pallas_src>

<mosaic_0001>
#map = affine_map<(d0, d1) -> (0, 0)>
module attributes {stable_mosaic.version = 14 : i64} {
  func.func @k(%arg0: i32, %arg1: i32, %arg2: memref<128x128xi32, #tpu.memory_space<hbm>>, %arg3: memref<128x128xi32, #tpu.memory_space<hbm>>, %arg4: memref<100000x128xf32, #tpu.memory_space<hbm>>, %arg5: memref<100000x128xf32, #tpu.memory_space<hbm>>, %arg6: memref<32768x128xf32, #tpu.memory_space<hbm>>, %arg7: memref<8x128xi32, #tpu.memory_space<vmem>>, %arg8: memref<256x128xf32, #tpu.memory_space<vmem>>, %arg9: memref<256x128xf32, #tpu.memory_space<vmem>>, %arg10: memref<256x128xf32, #tpu.memory_space<vmem>>, %arg11: memref<!tpu.dma_semaphore, #tpu.memory_space<semaphore_mem>>, %arg12: memref<!tpu.dma_semaphore, #tpu.memory_space<semaphore_mem>>, %arg13: memref<!tpu.dma_semaphore, #tpu.memory_space<semaphore_mem>>, %arg14: memref<!tpu.dma_semaphore, #tpu.memory_space<semaphore_mem>>, %arg15: memref<!tpu.dma_semaphore, #tpu.memory_space<semaphore_mem>>, %arg16: memref<!tpu.dma_semaphore, #tpu.memory_space<semaphore_mem>>) attributes {dimension_semantics = [#tpu.dimension_semantics<core_parallel>, #tpu.dimension_semantics<subcore_parallel>], iteration_bounds = array<i64: 2, 16>, scalar_prefetch = 0 : i64, scratch_operands = 10 : i64, tpu.core_type = #tpu.core_type<sc_vector_subcore>, window_params = [{transform_indices = #map}, {transform_indices = #map}, {transform_indices = #map}, {transform_indices = #map}, {transform_indices = #map}]} {
    %mul3A = arith.constant 2 : i32
    %mul3A_0 = arith.muli %arg1, %mul3A : i32
    %add3A = arith.addi %mul3A_0, %arg0 : i32
    %mul3A_1 = arith.constant 4 : i32
    %mul3A_2 = arith.muli %add3A, %mul3A_1 : i32
    %dma_start3A = arith.constant 0 : i32
    %dma_start3A_3 = arith.constant 0 : i32
    %dma_start3A_4 = tpu.memref_slice %arg7[%dma_start3A, %dma_start3A_3] : memref<8x128xi32, #tpu.memory_space<vmem>> -> memref<4x128xi32, #tpu.memory_space<vmem>>
    %dma_start3A_5 = arith.constant 0 : i32
    %dma_start3A_6 = tpu.memref_slice %arg2[%mul3A_2, %dma_start3A_5] : memref<128x128xi32, #tpu.memory_space<hbm>> -> memref<4x128xi32, #tpu.memory_space<hbm>>
    %dma_start3A_7 = arith.constant 0 : i32
    %dma_start3A_8 = arith.constant 0 : i32
    %dma_start3A_9 = tpu.memref_slice %arg7[%dma_start3A_7, %dma_start3A_8] : memref<8x128xi32, #tpu.memory_space<vmem>> -> memref<4x128xi32, #tpu.memory_space<vmem>>
    %dma_start3A_10 = arith.constant 0 : i32
    %dma_start3A_11 = tpu.memref_slice %arg2[%mul3A_2, %dma_start3A_10] : memref<128x128xi32, #tpu.memory_space<hbm>> -> memref<4x128xi32, #tpu.memory_space<hbm>>
    tpu.enqueue_dma source(%dma_start3A_11 : memref<4x128xi32, #tpu.memory_space<hbm>>) target(%dma_start3A_9 : memref<4x128xi32, #tpu.memory_space<vmem>>) target_semaphore(%arg14 : memref<!tpu.dma_semaphore, #tpu.memory_space<semaphore_mem>>)
    %dma_start3A_12 = arith.constant 4 : i32
    %dma_start3A_13 = arith.constant 0 : i32
    %dma_start3A_14 = tpu.memref_slice %arg7[%dma_start3A_12, %dma_start3A_13] : memref<8x128xi32, #tpu.memory_space<vmem>> -> memref<4x128xi32, #tpu.memory_space<vmem>>
    %dma_start3A_15 = arith.constant 0 : i32
    %dma_start3A_16 = tpu.memref_slice %arg3[%mul3A_2, %dma_start3A_15] : memref<128x128xi32, #tpu.memory_space<hbm>> -> memref<4x128xi32, #tpu.memory_space<hbm>>
    %dma_start3A_17 = arith.constant 4 : i32
    %dma_start3A_18 = arith.constant 0 : i32
    %dma_start3A_19 = tpu.memref_slice %arg7[%dma_start3A_17, %dma_start3A_18] : memref<8x128xi32, #tpu.memory_space<vmem>> -> memref<4x128xi32, #tpu.memory_space<vmem>>
    %dma_start3A_20 = arith.constant 0 : i32
    %dma_start3A_21 = tpu.memref_slice %arg3[%mul3A_2, %dma_start3A_20] : memref<128x128xi32, #tpu.memory_space<hbm>> -> memref<4x128xi32, #tpu.memory_space<hbm>>
    tpu.enqueue_dma source(%dma_start3A_21 : memref<4x128xi32, #tpu.memory_space<hbm>>) target(%dma_start3A_19 : memref<4x128xi32, #tpu.memory_space<vmem>>) target_semaphore(%arg15 : memref<!tpu.dma_semaphore, #tpu.memory_space<semaphore_mem>>)
    %dma_wait3A = arith.constant 0 : i32
    %dma_wait3A_22 = arith.constant 0 : i32
    %dma_wait3A_23 = tpu.memref_slice %arg7[%dma_wait3A, %dma_wait3A_22] : memref<8x128xi32, #tpu.memory_space<vmem>> -> memref<4x128xi32, #tpu.memory_space<vmem>>
    %dma_wait3A_24 = arith.constant 0 : i32
    %dma_wait3A_25 = tpu.memref_slice %arg2[%mul3A_2, %dma_wait3A_24] : memref<128x128xi32, #tpu.memory_space<hbm>> -> memref<4x128xi32, #tpu.memory_space<hbm>>
    %dma_wait3A_26 = arith.constant 0 : i32
    %dma_wait3A_27 = arith.constant 0 : i32
    %dma_wait3A_28 = tpu.memref_slice %arg7[%dma_wait3A_26, %dma_wait3A_27] : memref<8x128xi32, #tpu.memory_space<vmem>> -> memref<4x128xi32, #tpu.memory_space<vmem>>
    %dma_wait3A_29 = arith.constant 0 : i32
    %dma_wait3A_30 = tpu.memref_slice %arg2[%mul3A_2, %dma_wait3A_29] : memref<128x128xi32, #tpu.memory_space<hbm>> -> memref<4x128xi32, #tpu.memory_space<hbm>>
    tpu.wait_dma2 semaphore(%arg14 : memref<!tpu.dma_semaphore, #tpu.memory_space<semaphore_mem>>) src(%dma_wait3A_30 : memref<4x128xi32, #tpu.memory_space<hbm>>) dst(%dma_wait3A_28 : memref<4x128xi32, #tpu.memory_space<vmem>>)
    %dma_wait3A_31 = arith.constant 4 : i32
    %dma_wait3A_32 = arith.constant 0 : i32
    %dma_wait3A_33 = tpu.memref_slice %arg7[%dma_wait3A_31, %dma_wait3A_32] : memref<8x128xi32, #tpu.memory_space<vmem>> -> memref<4x128xi32, #tpu.memory_space<vmem>>
    %dma_wait3A_34 = arith.constant 0 : i32
    %dma_wait3A_35 = tpu.memref_slice %arg3[%mul3A_2, %dma_wait3A_34] : memref<128x128xi32, #tpu.memory_space<hbm>> -> memref<4x128xi32, #tpu.memory_space<hbm>>
    %dma_wait3A_36 = arith.constant 4 : i32
    %dma_wait3A_37 = arith.constant 0 : i32
    %dma_wait3A_38 = tpu.memref_slice %arg7[%dma_wait3A_36, %dma_wait3A_37] : memref<8x128xi32, #tpu.memory_space<vmem>> -> memref<4x128xi32, #tpu.memory_space<vmem>>
    %dma_wait3A_39 = arith.constant 0 : i32
    %dma_wait3A_40 = tpu.memref_slice %arg3[%mul3A_2, %dma_wait3A_39] : memref<128x128xi32, #tpu.memory_space<hbm>> -> memref<4x128xi32, #tpu.memory_space<hbm>>
    tpu.wait_dma2 semaphore(%arg15 : memref<!tpu.dma_semaphore, #tpu.memory_space<semaphore_mem>>) src(%dma_wait3A_40 : memref<4x128xi32, #tpu.memory_space<hbm>>) dst(%dma_wait3A_38 : memref<4x128xi32, #tpu.memory_space<vmem>>)
    %dma_start3A_41 = arith.constant 0 : i32
    %dma_start3A_42 = arith.constant 0 : i32
    %dma_start3A_43 = arith.constant 0 : i32
    %dma_start3A_44 = tpu.memref_slice %arg8[%dma_start3A_42, %dma_start3A_43] : memref<256x128xf32, #tpu.memory_space<vmem>> -> memref<128x128xf32, #tpu.memory_space<vmem>>
    %dma_start3A_45 = arith.constant 0 : i32
    %dma_start3A_46 = tpu.memref_slice %arg7[%dma_start3A_41, %dma_start3A_45] : memref<8x128xi32, #tpu.memory_space<vmem>> -> memref<1x128xi32, #tpu.memory_space<vmem>>
    %dma_start3A_47 = tpu.memref_squeeze %dma_start3A_46 : memref<1x128xi32, #tpu.memory_space<vmem>> -> memref<128xi32, #tpu.memory_space<vmem>>
    %dma_start3A_48 = arith.constant 0 : i32
    %dma_start3A_49 = arith.constant 0 : i32
    %dma_start3A_50 = tpu.memref_slice %arg4[%dma_start3A_48, %dma_start3A_49] : memref<100000x128xf32, #tpu.memory_space<hbm>> -> memref<100000x128xf32, #tpu.memory_space<hbm>>
    tpu.enqueue_indirect_dma source(%dma_start3A_50 : memref<100000x128xf32, #tpu.memory_space<hbm>>) target(%dma_start3A_44 : memref<128x128xf32, #tpu.memory_space<vmem>>) offsets(%dma_start3A_47 : memref<128xi32, #tpu.memory_space<vmem>>) semaphore(%arg11 : memref<!tpu.dma_semaphore, #tpu.memory_space<semaphore_mem>>)
    %dma_start3A_51 = arith.constant 1 : i32
    %dma_start3A_52 = arith.constant 128 : i32
    %dma_start3A_53 = arith.constant 0 : i32
    %dma_start3A_54 = tpu.memref_slice %arg8[%dma_start3A_52, %dma_start3A_53] : memref<256x128xf32, #tpu.memory_space<vmem>> -> memref<128x128xf32, #tpu.memory_space<vmem>>
    %dma_start3A_55 = arith.constant 0 : i32
    %dma_start3A_56 = tpu.memref_slice %arg7[%dma_start3A_51, %dma_start3A_55] : memref<8x128xi32, #tpu.memory_space<vmem>> -> memref<1x128xi32, #tpu.memory_space<vmem>>
    %dma_start3A_57 = tpu.memref_squeeze %dma_start3A_56 : memref<1x128xi32, #tpu.memory_space<vmem>> -> memref<128xi32, #tpu.memory_space<vmem>>
    %dma_start3A_58 = arith.constant 0 : i32
    %dma_start3A_59 = arith.constant 0 : i32
    %dma_start3A_60 = tpu.memref_slice %arg4[%dma_start3A_58, %dma_start3A_59] : memref<100000x128xf32, #tpu.memory_space<hbm>> -> memref<100000x128xf32, #tpu.memory_space<hbm>>
    tpu.enqueue_indirect_dma source(%dma_start3A_60 : memref<100000x128xf32, #tpu.memory_space<hbm>>) target(%dma_start3A_54 : memref<128x128xf32, #tpu.memory_space<vmem>>) offsets(%dma_start3A_57 : memref<128xi32, #tpu.memory_space<vmem>>) semaphore(%arg11 : memref<!tpu.dma_semaphore, #tpu.memory_space<semaphore_mem>>)
    %dma_start3A_61 = arith.constant 2 : i32
    %dma_start3A_62 = arith.constant 0 : i32
    %dma_start3A_63 = arith.constant 0 : i32
    %dma_start3A_64 = tpu.memref_slice %arg9[%dma_start3A_62, %dma_start3A_63] : memref<256x128xf32, #tpu.memory_space<vmem>> -> memref<128x128xf32, #tpu.memory_space<vmem>>
    %dma_start3A_65 = arith.constant 0 : i32
    %dma_start3A_66 = tpu.memref_slice %arg7[%dma_start3A_61, %dma_start3A_65] : memref<8x128xi32, #tpu.memory_space<vmem>> -> memref<1x128xi32, #tpu.memory_space<vmem>>
    %dma_start3A_67 = tpu.memref_squeeze %dma_start3A_66 : memref<1x128xi32, #tpu.memory_space<vmem>> -> memref<128xi32, #tpu.memory_space<vmem>>
    %dma_start3A_68 = arith.constant 0 : i32
    %dma_start3A_69 = arith.constant 0 : i32
    %dma_start3A_70 = tpu.memref_slice %arg4[%dma_start3A_68, %dma_start3A_69] : memref<100000x128xf32, #tpu.memory_space<hbm>> -> memref<100000x128xf32, #tpu.memory_space<hbm>>
    tpu.enqueue_indirect_dma source(%dma_start3A_70 : memref<100000x128xf32, #tpu.memory_space<hbm>>) target(%dma_start3A_64 : memref<128x128xf32, #tpu.memory_space<vmem>>) offsets(%dma_start3A_67 : memref<128xi32, #tpu.memory_space<vmem>>) semaphore(%arg12 : memref<!tpu.dma_semaphore, #tpu.memory_space<semaphore_mem>>)
    %dma_start3A_71 = arith.constant 3 : i32
    %dma_start3A_72 = arith.constant 128 : i32
    %dma_start3A_73 = arith.constant 0 : i32
    %dma_start3A_74 = tpu.memref_slice %arg9[%dma_start3A_72, %dma_start3A_73] : memref<256x128xf32, #tpu.memory_space<vmem>> -> memref<128x128xf32, #tpu.memory_space<vmem>>
    %dma_start3A_75 = arith.constant 0 : i32
    %dma_start3A_76 = tpu.memref_slice %arg7[%dma_start3A_71, %dma_start3A_75] : memref<8x128xi32, #tpu.memory_space<vmem>> -> memref<1x128xi32, #tpu.memory_space<vmem>>
    %dma_start3A_77 = tpu.memref_squeeze %dma_start3A_76 : memref<1x128xi32, #tpu.memory_space<vmem>> -> memref<128xi32, #tpu.memory_space<vmem>>
    %dma_start3A_78 = arith.constant 0 : i32
    %dma_start3A_79 = arith.constant 0 : i32
    %dma_start3A_80 = tpu.memref_slice %arg4[%dma_start3A_78, %dma_start3A_79] : memref<100000x128xf32, #tpu.memory_space<hbm>> -> memref<100000x128xf32, #tpu.memory_space<hbm>>
    tpu.enqueue_indirect_dma source(%dma_start3A_80 : memref<100000x128xf32, #tpu.memory_space<hbm>>) target(%dma_start3A_74 : memref<128x128xf32, #tpu.memory_space<vmem>>) offsets(%dma_start3A_77 : memref<128xi32, #tpu.memory_space<vmem>>) semaphore(%arg12 : memref<!tpu.dma_semaphore, #tpu.memory_space<semaphore_mem>>)
    %dma_wait3A_81 = arith.constant 0 : i32
    %dma_wait3A_82 = arith.constant 0 : i32
    %dma_wait3A_83 = arith.constant 0 : i32
    %dma_wait3A_84 = tpu.memref_slice %arg8[%dma_wait3A_82, %dma_wait3A_83] : memref<256x128xf32, #tpu.memory_space<vmem>> -> memref<128x128xf32, #tpu.memory_space<vmem>>
    %dma_wait3A_85 = arith.constant 0 : i32
    %dma_wait3A_86 = tpu.memref_slice %arg7[%dma_wait3A_81, %dma_wait3A_85] : memref<8x128xi32, #tpu.memory_space<vmem>> -> memref<1x128xi32, #tpu.memory_space<vmem>>
    %dma_wait3A_87 = tpu.memref_squeeze %dma_wait3A_86 : memref<1x128xi32, #tpu.memory_space<vmem>> -> memref<128xi32, #tpu.memory_space<vmem>>
    %dma_wait3A_88 = arith.constant 0 : i32
    %dma_wait3A_89 = arith.constant 0 : i32
    %dma_wait3A_90 = tpu.memref_slice %arg4[%dma_wait3A_88, %dma_wait3A_89] : memref<100000x128xf32, #tpu.memory_space<hbm>> -> memref<100000x128xf32, #tpu.memory_space<hbm>>
    tpu.wait_indirect_dma semaphore(%arg11 : memref<!tpu.dma_semaphore, #tpu.memory_space<semaphore_mem>>) src(%dma_wait3A_90 : memref<100000x128xf32, #tpu.memory_space<hbm>>) dst(%dma_wait3A_84 : memref<128x128xf32, #tpu.memory_space<vmem>>)
    %dma_wait3A_91 = arith.constant 1 : i32
    %dma_wait3A_92 = arith.constant 128 : i32
    %dma_wait3A_93 = arith.constant 0 : i32
    %dma_wait3A_94 = tpu.memref_slice %arg8[%dma_wait3A_92, %dma_wait3A_93] : memref<256x128xf32, #tpu.memory_space<vmem>> -> memref<128x128xf32, #tpu.memory_space<vmem>>
    %dma_wait3A_95 = arith.constant 0 : i32
    %dma_wait3A_96 = tpu.memref_slice %arg7[%dma_wait3A_91, %dma_wait3A_95] : memref<8x128xi32, #tpu.memory_space<vmem>> -> memref<1x128xi32, #tpu.memory_space<vmem>>
    %dma_wait3A_97 = tpu.memref_squeeze %dma_wait3A_96 : memref<1x128xi32, #tpu.memory_space<vmem>> -> memref<128xi32, #tpu.memory_space<vmem>>
    %dma_wait3A_98 = arith.constant 0 : i32
    %dma_wait3A_99 = arith.constant 0 : i32
    %dma_wait3A_100 = tpu.memref_slice %arg4[%dma_wait3A_98, %dma_wait3A_99] : memref<100000x128xf32, #tpu.memory_space<hbm>> -> memref<100000x128xf32, #tpu.memory_space<hbm>>
    tpu.wait_indirect_dma semaphore(%arg11 : memref<!tpu.dma_semaphore, #tpu.memory_space<semaphore_mem>>) src(%dma_wait3A_100 : memref<100000x128xf32, #tpu.memory_space<hbm>>) dst(%dma_wait3A_94 : memref<128x128xf32, #tpu.memory_space<vmem>>)
    %mul3A_101 = arith.constant 512 : i32
    %mul3A_102 = arith.muli %add3A, %mul3A_101 : i32
    %add3A_103 = arith.constant 0 : i32
    %add3A_104 = arith.addi %add3A_103, %mul3A_102 : i32
    %add3A_105 = arith.constant 0 : i32
    %add3A_106 = arith.addi %add3A_104, %add3A_105 : i32
    %dma_start3A_107 = arith.constant 0 : i32
    %dma_start3A_108 = tpu.memref_slice %arg6[%add3A_106, %dma_start3A_107] : memref<32768x128xf32, #tpu.memory_space<hbm>> -> memref<256x128xf32, #tpu.memory_space<hbm>>
    %dma_start3A_109 = arith.constant 0 : i32
    %dma_start3A_110 = tpu.memref_slice %arg6[%add3A_106, %dma_start3A_109] : memref<32768x128xf32, #tpu.memory_space<hbm>> -> memref<256x128xf32, #tpu.memory_space<hbm>>
    tpu.enqueue_dma source(%arg8 : memref<256x128xf32, #tpu.memory_space<vmem>>) target(%dma_start3A_110 : memref<256x128xf32, #tpu.memory_space<hbm>>) target_semaphore(%arg14 : memref<!tpu.dma_semaphore, #tpu.memory_space<semaphore_mem>>)
    %dma_start3A_111 = arith.constant 4 : i32
    %dma_start3A_112 = arith.constant 0 : i32
    %dma_start3A_113 = arith.constant 0 : i32
    %dma_start3A_114 = tpu.memref_slice %arg10[%dma_start3A_112, %dma_start3A_113] : memref<256x128xf32, #tpu.memory_space<vmem>> -> memref<128x128xf32, #tpu.memory_space<vmem>>
    %dma_start3A_115 = arith.constant 0 : i32
    %dma_start3A_116 = tpu.memref_slice %arg7[%dma_start3A_111, %dma_start3A_115] : memref<8x128xi32, #tpu.memory_space<vmem>> -> memref<1x128xi32, #tpu.memory_space<vmem>>
    %dma_start3A_117 = tpu.memref_squeeze %dma_start3A_116 : memref<1x128xi32, #tpu.memory_space<vmem>> -> memref<128xi32, #tpu.memory_space<vmem>>
    %dma_start3A_118 = arith.constant 0 : i32
    %dma_start3A_119 = arith.constant 0 : i32
    %dma_start3A_120 = tpu.memref_slice %arg5[%dma_start3A_118, %dma_start3A_119] : memref<100000x128xf32, #tpu.memory_space<hbm>> -> memref<100000x128xf32, #tpu.memory_space<hbm>>
    tpu.enqueue_indirect_dma source(%dma_start3A_120 : memref<100000x128xf32, #tpu.memory_space<hbm>>) target(%dma_start3A_114 : memref<128x128xf32, #tpu.memory_space<vmem>>) offsets(%dma_start3A_117 : memref<128xi32, #tpu.memory_space<vmem>>) semaphore(%arg13 : memref<!tpu.dma_semaphore, #tpu.memory_space<semaphore_mem>>)
    %dma_start3A_121 = arith.constant 5 : i32
    %dma_start3A_122 = arith.constant 128 : i32
    %dma_start3A_123 = arith.constant 0 : i32
    %dma_start3A_124 = tpu.memref_slice %arg10[%dma_start3A_122, %dma_start3A_123] : memref<256x128xf32, #tpu.memory_space<vmem>> -> memref<128x128xf32, #tpu.memory_space<vmem>>
    %dma_start3A_125 = arith.constant 0 : i32
    %dma_start3A_126 = tpu.memref_slice %arg7[%dma_start3A_121, %dma_start3A_125] : memref<8x128xi32, #tpu.memory_space<vmem>> -> memref<1x128xi32, #tpu.memory_space<vmem>>
    %dma_start3A_127 = tpu.memref_squeeze %dma_start3A_126 : memref<1x128xi32, #tpu.memory_space<vmem>> -> memref<128xi32, #tpu.memory_space<vmem>>
    %dma_start3A_128 = arith.constant 0 : i32
    %dma_start3A_129 = arith.constant 0 : i32
    %dma_start3A_130 = tpu.memref_slice %arg5[%dma_start3A_128, %dma_start3A_129] : memref<100000x128xf32, #tpu.memory_space<hbm>> -> memref<100000x128xf32, #tpu.memory_space<hbm>>
    tpu.enqueue_indirect_dma source(%dma_start3A_130 : memref<100000x128xf32, #tpu.memory_space<hbm>>) target(%dma_start3A_124 : memref<128x128xf32, #tpu.memory_space<vmem>>) offsets(%dma_start3A_127 : memref<128xi32, #tpu.memory_space<vmem>>) semaphore(%arg13 : memref<!tpu.dma_semaphore, #tpu.memory_space<semaphore_mem>>)
    %dma_wait3A_131 = arith.constant 2 : i32
    %dma_wait3A_132 = arith.constant 0 : i32
    %dma_wait3A_133 = arith.constant 0 : i32
    %dma_wait3A_134 = tpu.memref_slice %arg9[%dma_wait3A_132, %dma_wait3A_133] : memref<256x128xf32, #tpu.memory_space<vmem>> -> memref<128x128xf32, #tpu.memory_space<vmem>>
    %dma_wait3A_135 = arith.constant 0 : i32
    %dma_wait3A_136 = tpu.memref_slice %arg7[%dma_wait3A_131, %dma_wait3A_135] : memref<8x128xi32, #tpu.memory_space<vmem>> -> memref<1x128xi32, #tpu.memory_space<vmem>>
    %dma_wait3A_137 = tpu.memref_squeeze %dma_wait3A_136 : memref<1x128xi32, #tpu.memory_space<vmem>> -> memref<128xi32, #tpu.memory_space<vmem>>
    %dma_wait3A_138 = arith.constant 0 : i32
    %dma_wait3A_139 = arith.constant 0 : i32
    %dma_wait3A_140 = tpu.memref_slice %arg4[%dma_wait3A_138, %dma_wait3A_139] : memref<100000x128xf32, #tpu.memory_space<hbm>> -> memref<100000x128xf32, #tpu.memory_space<hbm>>
    tpu.wait_indirect_dma semaphore(%arg12 : memref<!tpu.dma_semaphore, #tpu.memory_space<semaphore_mem>>) src(%dma_wait3A_140 : memref<100000x128xf32, #tpu.memory_space<hbm>>) dst(%dma_wait3A_134 : memref<128x128xf32, #tpu.memory_space<vmem>>)
    %dma_wait3A_141 = arith.constant 3 : i32
    %dma_wait3A_142 = arith.constant 128 : i32
    %dma_wait3A_143 = arith.constant 0 : i32
    %dma_wait3A_144 = tpu.memref_slice %arg9[%dma_wait3A_142, %dma_wait3A_143] : memref<256x128xf32, #tpu.memory_space<vmem>> -> memref<128x128xf32, #tpu.memory_space<vmem>>
    %dma_wait3A_145 = arith.constant 0 : i32
    %dma_wait3A_146 = tpu.memref_slice %arg7[%dma_wait3A_141, %dma_wait3A_145] : memref<8x128xi32, #tpu.memory_space<vmem>> -> memref<1x128xi32, #tpu.memory_space<vmem>>
    %dma_wait3A_147 = tpu.memref_squeeze %dma_wait3A_146 : memref<1x128xi32, #tpu.memory_space<vmem>> -> memref<128xi32, #tpu.memory_space<vmem>>
    %dma_wait3A_148 = arith.constant 0 : i32
    %dma_wait3A_149 = arith.constant 0 : i32
    %dma_wait3A_150 = tpu.memref_slice %arg4[%dma_wait3A_148, %dma_wait3A_149] : memref<100000x128xf32, #tpu.memory_space<hbm>> -> memref<100000x128xf32, #tpu.memory_space<hbm>>
    tpu.wait_indirect_dma semaphore(%arg12 : memref<!tpu.dma_semaphore, #tpu.memory_space<semaphore_mem>>) src(%dma_wait3A_150 : memref<100000x128xf32, #tpu.memory_space<hbm>>) dst(%dma_wait3A_144 : memref<128x128xf32, #tpu.memory_space<vmem>>)
    %mul3A_151 = arith.constant 512 : i32
    %mul3A_152 = arith.muli %add3A, %mul3A_151 : i32
    %add3A_153 = arith.constant 0 : i32
    %add3A_154 = arith.addi %add3A_153, %mul3A_152 : i32
    %add3A_155 = arith.constant 256 : i32
    %add3A_156 = arith.addi %add3A_154, %add3A_155 : i32
    %dma_start3A_157 = arith.constant 0 : i32
    %dma_start3A_158 = tpu.memref_slice %arg6[%add3A_156, %dma_start3A_157] : memref<32768x128xf32, #tpu.memory_space<hbm>> -> memref<256x128xf32, #tpu.memory_space<hbm>>
    %dma_start3A_159 = arith.constant 0 : i32
    %dma_start3A_160 = tpu.memref_slice %arg6[%add3A_156, %dma_start3A_159] : memref<32768x128xf32, #tpu.memory_space<hbm>> -> memref<256x128xf32, #tpu.memory_space<hbm>>
    tpu.enqueue_dma source(%arg9 : memref<256x128xf32, #tpu.memory_space<vmem>>) target(%dma_start3A_160 : memref<256x128xf32, #tpu.memory_space<hbm>>) target_semaphore(%arg15 : memref<!tpu.dma_semaphore, #tpu.memory_space<semaphore_mem>>)
    %dma_wait3A_161 = arith.constant 0 : i32
    %dma_wait3A_162 = tpu.memref_slice %arg6[%add3A_106, %dma_wait3A_161] : memref<32768x128xf32, #tpu.memory_space<hbm>> -> memref<256x128xf32, #tpu.memory_space<hbm>>
    %dma_wait3A_163 = arith.constant 0 : i32
    %dma_wait3A_164 = tpu.memref_slice %arg6[%add3A_106, %dma_wait3A_163] : memref<32768x128xf32, #tpu.memory_space<hbm>> -> memref<256x128xf32, #tpu.memory_space<hbm>>
    tpu.wait_dma2 semaphore(%arg14 : memref<!tpu.dma_semaphore, #tpu.memory_space<semaphore_mem>>) src(%arg8 : memref<256x128xf32, #tpu.memory_space<vmem>>) dst(%dma_wait3A_164 : memref<256x128xf32, #tpu.memory_space<hbm>>)
    %dma_start3A_165 = arith.constant 6 : i32
    %dma_start3A_166 = arith.constant 0 : i32
    %dma_start3A_167 = arith.constant 0 : i32
    %dma_start3A_168 = tpu.memref_slice %arg8[%dma_start3A_166, %dma_start3A_167] : memref<256x128xf32, #tpu.memory_space<vmem>> -> memref<128x128xf32, #tpu.memory_space<vmem>>
    %dma_start3A_169 = arith.constant 0 : i32
    %dma_start3A_170 = tpu.memref_slice %arg7[%dma_start3A_165, %dma_start3A_169] : memref<8x128xi32, #tpu.memory_space<vmem>> -> memref<1x128xi32, #tpu.memory_space<vmem>>
    %dma_start3A_171 = tpu.memref_squeeze %dma_start3A_170 : memref<1x128xi32, #tpu.memory_space<vmem>> -> memref<128xi32, #tpu.memory_space<vmem>>
    %dma_start3A_172 = arith.constant 0 : i32
    %dma_start3A_173 = arith.constant 0 : i32
    %dma_start3A_174 = tpu.memref_slice %arg5[%dma_start3A_172, %dma_start3A_173] : memref<100000x128xf32, #tpu.memory_space<hbm>> -> memref<100000x128xf32, #tpu.memory_space<hbm>>
    tpu.enqueue_indirect_dma source(%dma_start3A_174 : memref<100000x128xf32, #tpu.memory_space<hbm>>) target(%dma_start3A_168 : memref<128x128xf32, #tpu.memory_space<vmem>>) offsets(%dma_start3A_171 : memref<128xi32, #tpu.memory_space<vmem>>) semaphore(%arg11 : memref<!tpu.dma_semaphore, #tpu.memory_space<semaphore_mem>>)
    %dma_start3A_175 = arith.constant 7 : i32
    %dma_start3A_176 = arith.constant 128 : i32
    %dma_start3A_177 = arith.constant 0 : i32
    %dma_start3A_178 = tpu.memref_slice %arg8[%dma_start3A_176, %dma_start3A_177] : memref<256x128xf32, #tpu.memory_space<vmem>> -> memref<128x128xf32, #tpu.memory_space<vmem>>
    %dma_start3A_179 = arith.constant 0 : i32
    %dma_start3A_180 = tpu.memref_slice %arg7[%dma_start3A_175, %dma_start3A_179] : memref<8x128xi32, #tpu.memory_space<vmem>> -> memref<1x128xi32, #tpu.memory_space<vmem>>
    %dma_start3A_181 = tpu.memref_squeeze %dma_start3A_180 : memref<1x128xi32, #tpu.memory_space<vmem>> -> memref<128xi32, #tpu.memory_space<vmem>>
    %dma_start3A_182 = arith.constant 0 : i32
    %dma_start3A_183 = arith.constant 0 : i32
    %dma_start3A_184 = tpu.memref_slice %arg5[%dma_start3A_182, %dma_start3A_183] : memref<100000x128xf32, #tpu.memory_space<hbm>> -> memref<100000x128xf32, #tpu.memory_space<hbm>>
    tpu.enqueue_indirect_dma source(%dma_start3A_184 : memref<100000x128xf32, #tpu.memory_space<hbm>>) target(%dma_start3A_178 : memref<128x128xf32, #tpu.memory_space<vmem>>) offsets(%dma_start3A_181 : memref<128xi32, #tpu.memory_space<vmem>>) semaphore(%arg11 : memref<!tpu.dma_semaphore, #tpu.memory_space<semaphore_mem>>)
    %dma_wait3A_185 = arith.constant 4 : i32
    %dma_wait3A_186 = arith.constant 0 : i32
    %dma_wait3A_187 = arith.constant 0 : i32
    %dma_wait3A_188 = tpu.memref_slice %arg10[%dma_wait3A_186, %dma_wait3A_187] : memref<256x128xf32, #tpu.memory_space<vmem>> -> memref<128x128xf32, #tpu.memory_space<vmem>>
    %dma_wait3A_189 = arith.constant 0 : i32
    %dma_wait3A_190 = tpu.memref_slice %arg7[%dma_wait3A_185, %dma_wait3A_189] : memref<8x128xi32, #tpu.memory_space<vmem>> -> memref<1x128xi32, #tpu.memory_space<vmem>>
    %dma_wait3A_191 = tpu.memref_squeeze %dma_wait3A_190 : memref<1x128xi32, #tpu.memory_space<vmem>> -> memref<128xi32, #tpu.memory_space<vmem>>
    %dma_wait3A_192 = arith.constant 0 : i32
    %dma_wait3A_193 = arith.constant 0 : i32
    %dma_wait3A_194 = tpu.memref_slice %arg5[%dma_wait3A_192, %dma_wait3A_193] : memref<100000x128xf32, #tpu.memory_space<hbm>> -> memref<100000x128xf32, #tpu.memory_space<hbm>>
    tpu.wait_indirect_dma semaphore(%arg13 : memref<!tpu.dma_semaphore, #tpu.memory_space<semaphore_mem>>) src(%dma_wait3A_194 : memref<100000x128xf32, #tpu.memory_space<hbm>>) dst(%dma_wait3A_188 : memref<128x128xf32, #tpu.memory_space<vmem>>)
    %dma_wait3A_195 = arith.constant 5 : i32
    %dma_wait3A_196 = arith.constant 128 : i32
    %dma_wait3A_197 = arith.constant 0 : i32
    %dma_wait3A_198 = tpu.memref_slice %arg10[%dma_wait3A_196, %dma_wait3A_197] : memref<256x128xf32, #tpu.memory_space<vmem>> -> memref<128x128xf32, #tpu.memory_space<vmem>>
    %dma_wait3A_199 = arith.constant 0 : i32
    %dma_wait3A_200 = tpu.memref_slice %arg7[%dma_wait3A_195, %dma_wait3A_199] : memref<8x128xi32, #tpu.memory_space<vmem>> -> memref<1x128xi32, #tpu.memory_space<vmem>>
    %dma_wait3A_201 = tpu.memref_squeeze %dma_wait3A_200 : memref<1x128xi32, #tpu.memory_space<vmem>> -> memref<128xi32, #tpu.memory_space<vmem>>
    %dma_wait3A_202 = arith.constant 0 : i32
    %dma_wait3A_203 = arith.constant 0 : i32
    %dma_wait3A_204 = tpu.memref_slice %arg5[%dma_wait3A_202, %dma_wait3A_203] : memref<100000x128xf32, #tpu.memory_space<hbm>> -> memref<100000x128xf32, #tpu.memory_space<hbm>>
    tpu.wait_indirect_dma semaphore(%arg13 : memref<!tpu.dma_semaphore, #tpu.memory_space<semaphore_mem>>) src(%dma_wait3A_204 : memref<100000x128xf32, #tpu.memory_space<hbm>>) dst(%dma_wait3A_198 : memref<128x128xf32, #tpu.memory_space<vmem>>)
    %mul3A_205 = arith.constant 512 : i32
    %mul3A_206 = arith.muli %add3A, %mul3A_205 : i32
    %add3A_207 = arith.constant 16384 : i32
    %add3A_208 = arith.addi %add3A_207, %mul3A_206 : i32
    %add3A_209 = arith.constant 0 : i32
    %add3A_210 = arith.addi %add3A_208, %add3A_209 : i32
    %dma_start3A_211 = arith.constant 0 : i32
    %dma_start3A_212 = tpu.memref_slice %arg6[%add3A_210, %dma_start3A_211] : memref<32768x128xf32, #tpu.memory_space<hbm>> -> memref<256x128xf32, #tpu.memory_space<hbm>>
    %dma_start3A_213 = arith.constant 0 : i32
    %dma_start3A_214 = tpu.memref_slice %arg6[%add3A_210, %dma_start3A_213] : memref<32768x128xf32, #tpu.memory_space<hbm>> -> memref<256x128xf32, #tpu.memory_space<hbm>>
    tpu.enqueue_dma source(%arg10 : memref<256x128xf32, #tpu.memory_space<vmem>>) target(%dma_start3A_214 : memref<256x128xf32, #tpu.memory_space<hbm>>) target_semaphore(%arg16 : memref<!tpu.dma_semaphore, #tpu.memory_space<semaphore_mem>>)
    %dma_wait3A_215 = arith.constant 6 : i32
    %dma_wait3A_216 = arith.constant 0 : i32
    %dma_wait3A_217 = arith.constant 0 : i32
    %dma_wait3A_218 = tpu.memref_slice %arg8[%dma_wait3A_216, %dma_wait3A_217] : memref<256x128xf32, #tpu.memory_space<vmem>> -> memref<128x128xf32, #tpu.memory_space<vmem>>
    %dma_wait3A_219 = arith.constant 0 : i32
    %dma_wait3A_220 = tpu.memref_slice %arg7[%dma_wait3A_215, %dma_wait3A_219] : memref<8x128xi32, #tpu.memory_space<vmem>> -> memref<1x128xi32, #tpu.memory_space<vmem>>
    %dma_wait3A_221 = tpu.memref_squeeze %dma_wait3A_220 : memref<1x128xi32, #tpu.memory_space<vmem>> -> memref<128xi32, #tpu.memory_space<vmem>>
    %dma_wait3A_222 = arith.constant 0 : i32
    %dma_wait3A_223 = arith.constant 0 : i32
    %dma_wait3A_224 = tpu.memref_slice %arg5[%dma_wait3A_222, %dma_wait3A_223] : memref<100000x128xf32, #tpu.memory_space<hbm>> -> memref<100000x128xf32, #tpu.memory_space<hbm>>
    tpu.wait_indirect_dma semaphore(%arg11 : memref<!tpu.dma_semaphore, #tpu.memory_space<semaphore_mem>>) src(%dma_wait3A_224 : memref<100000x128xf32, #tpu.memory_space<hbm>>) dst(%dma_wait3A_218 : memref<128x128xf32, #tpu.memory_space<vmem>>)
    %dma_wait3A_225 = arith.constant 7 : i32
    %dma_wait3A_226 = arith.constant 128 : i32
    %dma_wait3A_227 = arith.constant 0 : i32
    %dma_wait3A_228 = tpu.memref_slice %arg8[%dma_wait3A_226, %dma_wait3A_227] : memref<256x128xf32, #tpu.memory_space<vmem>> -> memref<128x128xf32, #tpu.memory_space<vmem>>
    %dma_wait3A_229 = arith.constant 0 : i32
    %dma_wait3A_230 = tpu.memref_slice %arg7[%dma_wait3A_225, %dma_wait3A_229] : memref<8x128xi32, #tpu.memory_space<vmem>> -> memref<1x128xi32, #tpu.memory_space<vmem>>
    %dma_wait3A_231 = tpu.memref_squeeze %dma_wait3A_230 : memref<1x128xi32, #tpu.memory_space<vmem>> -> memref<128xi32, #tpu.memory_space<vmem>>
    %dma_wait3A_232 = arith.constant 0 : i32
    %dma_wait3A_233 = arith.constant 0 : i32
    %dma_wait3A_234 = tpu.memref_slice %arg5[%dma_wait3A_232, %dma_wait3A_233] : memref<100000x128xf32, #tpu.memory_space<hbm>> -> memref<100000x128xf32, #tpu.memory_space<hbm>>
    tpu.wait_indirect_dma semaphore(%arg11 : memref<!tpu.dma_semaphore, #tpu.memory_space<semaphore_mem>>) src(%dma_wait3A_234 : memref<100000x128xf32, #tpu.memory_space<hbm>>) dst(%dma_wait3A_228 : memref<128x128xf32, #tpu.memory_space<vmem>>)
    %mul3A_235 = arith.constant 512 : i32
    %mul3A_236 = arith.muli %add3A, %mul3A_235 : i32
    %add3A_237 = arith.constant 16384 : i32
    %add3A_238 = arith.addi %add3A_237, %mul3A_236 : i32
    %add3A_239 = arith.constant 256 : i32
    %add3A_240 = arith.addi %add3A_238, %add3A_239 : i32
    %dma_start3A_241 = arith.constant 0 : i32
    %dma_start3A_242 = tpu.memref_slice %arg6[%add3A_240, %dma_start3A_241] : memref<32768x128xf32, #tpu.memory_space<hbm>> -> memref<256x128xf32, #tpu.memory_space<hbm>>
    %dma_start3A_243 = arith.constant 0 : i32
    %dma_start3A_244 = tpu.memref_slice %arg6[%add3A_240, %dma_start3A_243] : memref<32768x128xf32, #tpu.memory_space<hbm>> -> memref<256x128xf32, #tpu.memory_space<hbm>>
    tpu.enqueue_dma source(%arg8 : memref<256x128xf32, #tpu.memory_space<vmem>>) target(%dma_start3A_244 : memref<256x128xf32, #tpu.memory_space<hbm>>) target_semaphore(%arg14 : memref<!tpu.dma_semaphore, #tpu.memory_space<semaphore_mem>>)
    %dma_wait3A_245 = arith.constant 0 : i32
    %dma_wait3A_246 = tpu.memref_slice %arg6[%add3A_156, %dma_wait3A_245] : memref<32768x128xf32, #tpu.memory_space<hbm>> -> memref<256x128xf32, #tpu.memory_space<hbm>>
    %dma_wait3A_247 = arith.constant 0 : i32
    %dma_wait3A_248 = tpu.memref_slice %arg6[%add3A_156, %dma_wait3A_247] : memref<32768x128xf32, #tpu.memory_space<hbm>> -> memref<256x128xf32, #tpu.memory_space<hbm>>
    tpu.wait_dma2 semaphore(%arg15 : memref<!tpu.dma_semaphore, #tpu.memory_space<semaphore_mem>>) src(%arg9 : memref<256x128xf32, #tpu.memory_space<vmem>>) dst(%dma_wait3A_248 : memref<256x128xf32, #tpu.memory_space<hbm>>)
    %dma_wait3A_249 = arith.constant 0 : i32
    %dma_wait3A_250 = tpu.memref_slice %arg6[%add3A_210, %dma_wait3A_249] : memref<32768x128xf32, #tpu.memory_space<hbm>> -> memref<256x128xf32, #tpu.memory_space<hbm>>
    %dma_wait3A_251 = arith.constant 0 : i32
    %dma_wait3A_252 = tpu.memref_slice %arg6[%add3A_210, %dma_wait3A_251] : memref<32768x128xf32, #tpu.memory_space<hbm>> -> memref<256x128xf32, #tpu.memory_space<hbm>>
    tpu.wait_dma2 semaphore(%arg16 : memref<!tpu.dma_semaphore, #tpu.memory_space<semaphore_mem>>) src(%arg10 : memref<256x128xf32, #tpu.memory_space<vmem>>) dst(%dma_wait3A_252 : memref<256x128xf32, #tpu.memory_space<hbm>>)
    %dma_wait3A_253 = arith.constant 0 : i32
    %dma_wait3A_254 = tpu.memref_slice %arg6[%add3A_240, %dma_wait3A_253] : memref<32768x128xf32, #tpu.memory_space<hbm>> -> memref<256x128xf32, #tpu.memory_space<hbm>>
    %dma_wait3A_255 = arith.constant 0 : i32
    %dma_wait3A_256 = tpu.memref_slice %arg6[%add3A_240, %dma_wait3A_255] : memref<32768x128xf32, #tpu.memory_space<hbm>> -> memref<256x128xf32, #tpu.memory_space<hbm>>
    tpu.wait_dma2 semaphore(%arg14 : memref<!tpu.dma_semaphore, #tpu.memory_space<semaphore_mem>>) src(%arg8 : memref<256x128xf32, #tpu.memory_space<vmem>>) dst(%dma_wait3A_256 : memref<256x128xf32, #tpu.memory_space<hbm>>)
    return
  }
}

module attributes {stable_mosaic.version = 14 : i64} {
  func.func @_towers_body(%arg0: i32, %arg1: memref<4096x128xf32, #tpu.memory_space<vmem>>, %arg2: memref<4096x128xf32, #tpu.memory_space<vmem>>, %arg3: memref<128x256xf32, #tpu.memory_space<vmem>>, %arg4: memref<1x256xf32, #tpu.memory_space<vmem>>, %arg5: memref<256x128xf32, #tpu.memory_space<vmem>>, %arg6: memref<1x128xf32, #tpu.memory_space<vmem>>, %arg7: memref<128x256xf32, #tpu.memory_space<vmem>>, %arg8: memref<1x256xf32, #tpu.memory_space<vmem>>, %arg9: memref<256x128xf32, #tpu.memory_space<vmem>>, %arg10: memref<1x128xf32, #tpu.memory_space<vmem>>, %arg11: memref<2x4096x128xf32, #tpu.memory_space<vmem>>) attributes {dimension_semantics = [#tpu.dimension_semantics<arbitrary>], iteration_bounds = array<i64: 4>, scalar_prefetch = 0 : i64, scratch_operands = 0 : i64, tpu.core_type = #tpu.core_type<tc>, window_params = [{transform_indices = @transform_0, window_bounds = array<i64: 4096, 128>}, {transform_indices = @transform_1, window_bounds = array<i64: 4096, 128>}, {pipeline_mode = #tpu.pipeline_mode<synchronous>, transform_indices = @transform_2, window_bounds = array<i64: 128, 256>}, {pipeline_mode = #tpu.pipeline_mode<synchronous>, transform_indices = @transform_3, window_bounds = array<i64: 1, 256>}, {pipeline_mode = #tpu.pipeline_mode<synchronous>, transform_indices = @transform_4, window_bounds = array<i64: 256, 128>}, {pipeline_mode = #tpu.pipeline_mode<synchronous>, transform_indices = @transform_5, window_bounds = array<i64: 1, 128>}, {pipeline_mode = #tpu.pipeline_mode<synchronous>, transform_indices = @transform_6, window_bounds = array<i64: 128, 256>}, {pipeline_mode = #tpu.pipeline_mode<synchronous>, transform_indices = @transform_7, window_bounds = array<i64: 1, 256>}, {pipeline_mode = #tpu.pipeline_mode<synchronous>, transform_indices = @transform_8, window_bounds = array<i64: 256, 128>}, {pipeline_mode = #tpu.pipeline_mode<synchronous>, transform_indices = @transform_9, window_bounds = array<i64: 1, 128>}, {transform_indices = @transform_10, window_bounds = array<i64: 2, 4096, 128>}]} {
    %get3A = arith.constant 0 : index
    %get3A_0 = arith.constant 0 : index
    %get3A_1 = vector.load %arg1[%get3A, %get3A_0] : memref<4096x128xf32, #tpu.memory_space<vmem>>, vector<4096x128xf32>
    %convert_element_type3A = arith.truncf %get3A_1 : vector<4096x128xf32> to vector<4096x128xbf16>
    %get3A_2 = arith.constant 0 : index
    %get3A_3 = arith.constant 0 : index
    %get3A_4 = vector.load %arg3[%get3A_2, %get3A_3] : memref<128x256xf32, #tpu.memory_space<vmem>>, vector<128x256xf32>
    %convert_element_type3A_5 = arith.truncf %get3A_4 : vector<128x256xf32> to vector<128x256xbf16>
    %dot_general3A = arith.constant dense<0.000000e+00> : vector<4096x256xf32>
    %dot_general3A_6 = tpu.matmul %convert_element_type3A, %convert_element_type3A_5, %dot_general3A {dimension_numbers = #tpu.dot_dimension_numbers<[1], [0], [0], [1], [0, 0, 1, 1], [], []>, transpose_lhs_hint = false} : vector<4096x128xbf16>, vector<128x256xbf16>, vector<4096x256xf32> -> vector<4096x256xf32>
    %get3A_7 = arith.constant 0 : index
    %get3A_8 = arith.constant 0 : index
    %get3A_9 = vector.load %arg4[%get3A_7, %get3A_8] : memref<1x256xf32, #tpu.memory_space<vmem>>, vector<1x256xf32>
    %add3A = vector.broadcast %get3A_9 : vector<1x256xf32> to vector<4096x256xf32>
    %add3A_10 = arith.addf %dot_general3A_6, %add3A : vector<4096x256xf32>
    %max3A = arith.constant 0.000000e+00 : f32
    %max3A_11 = vector.broadcast %max3A : f32 to vector<4096x256xf32>
    %max3A_12 = arith.maximumf %add3A_10, %max3A_11 : vector<4096x256xf32>
    %convert_element_type3A_13 = arith.truncf %max3A_12 : vector<4096x256xf32> to vector<4096x256xbf16>
    %get3A_14 = arith.constant 0 : index
    %get3A_15 = arith.constant 0 : index
    %get3A_16 = vector.load %arg5[%get3A_14, %get3A_15] : memref<256x128xf32, #tpu.memory_space<vmem>>, vector<256x128xf32>
    %convert_element_type3A_17 = arith.truncf %get3A_16 : vector<256x128xf32> to vector<256x128xbf16>
    %dot_general3A_18 = arith.constant dense<0.000000e+00> : vector<4096x128xf32>
    %dot_general3A_19 = tpu.matmul %convert_element_type3A_13, %convert_element_type3A_17, %dot_general3A_18 {dimension_numbers = #tpu.dot_dimension_numbers<[1], [0], [0], [1], [0, 0, 1, 1], [], []>, transpose_lhs_hint = false} : vector<4096x256xbf16>, vector<256x128xbf16>, vector<4096x128xf32> -> vector<4096x128xf32>
    %get3A_20 = arith.constant 0 : index
    %get3A_21 = arith.constant 0 : index
    %get3A_22 = vector.load %arg6[%get3A_20, %get3A_21] : memref<1x128xf32, #tpu.memory_space<vmem>>, vector<1x128xf32>
    %add3A_23 = vector.broadcast %get3A_22 : vector<1x128xf32> to vector<4096x128xf32>
    %add3A_24 = arith.addf %dot_general3A_19, %add3A_23 : vector<4096x128xf32>
    %mul3A = arith.mulf %add3A_24, %add3A_24 : vector<4096x128xf32>
    %reduce_sum3A = arith.constant dense<0.000000e+00> : vector<4096xf32>
    %reduce_sum3A_25 = vector.multi_reduction <add>, %mul3A, %reduce_sum3A [1] : vector<4096x128xf32> to vector<4096xf32>
    %broadcast_in_dim3A = vector.shape_cast %reduce_sum3A_25 : vector<4096xf32> to vector<4096x1xf32>
    %max3A_26 = arith.constant 9.99999996E-13 : f32
    %max3A_27 = vector.broadcast %max3A_26 : f32 to vector<4096x1xf32>
    %max3A_28 = arith.maximumf %broadcast_in_dim3A, %max3A_27 : vector<4096x1xf32>
    %rsqrt3A = math.rsqrt %max3A_28 : vector<4096x1xf32>
    %mul3A_29 = vector.broadcast %rsqrt3A : vector<4096x1xf32> to vector<4096x128xf32>
    %mul3A_30 = arith.mulf %add3A_24, %mul3A_29 : vector<4096x128xf32>
    %swap3A = arith.constant 0 : index
    %swap3A_31 = arith.constant 0 : index
    %swap3A_32 = arith.constant 0 : index
    %swap3A_33 = vector.load %arg11[%swap3A, %swap3A_31, %swap3A_32] : memref<2x4096x128xf32, #tpu.memory_space<vmem>>, vector<1x4096x128xf32>
    %swap3A_34 = vector.shape_cast %swap3A_33 : vector<1x4096x128xf32> to vector<4096x128xf32>
    %swap3A_35 = vector.shape_cast %mul3A_30 : vector<4096x128xf32> to vector<1x4096x128xf32>
    tpu.vector_store %arg11[%swap3A, %swap3A_31, %swap3A_32], %swap3A_35 {strides = array<i32>} : memref<2x4096x128xf32, #tpu.memory_space<vmem>>, vector<1x4096x128xf32>,
    %get3A_36 = arith.constant 0 : index
    %get3A_37 = arith.constant 0 : index
    %get3A_38 = vector.load %arg2[%get3A_36, %get3A_37] : memref<4096x128xf32, #tpu.memory_space<vmem>>, vector<4096x128xf32>
    %convert_element_type3A_39 = arith.truncf %get3A_38 : vector<4096x128xf32> to vector<4096x128xbf16>
    %get3A_40 = arith.constant 0 : index
    %get3A_41 = arith.constant 0 : index
    %get3A_42 = vector.load %arg7[%get3A_40, %get3A_41] : memref<128x256xf32, #tpu.memory_space<vmem>>, vector<128x256xf32>
    %convert_element_type3A_43 = arith.truncf %get3A_42 : vector<128x256xf32> to vector<128x256xbf16>
    %dot_general3A_44 = arith.constant dense<0.000000e+00> : vector<4096x256xf32>
    %dot_general3A_45 = tpu.matmul %convert_element_type3A_39, %convert_element_type3A_43, %dot_general3A_44 {dimension_numbers = #tpu.dot_dimension_numbers<[1], [0], [0], [1], [0, 0, 1, 1], [], []>, transpose_lhs_hint = false} : vector<4096x128xbf16>, vector<128x256xbf16>, vector<4096x256xf32> -> vector<4096x256xf32>
    %get3A_46 = arith.constant 0 : index
    %get3A_47 = arith.constant 0 : index
    %get3A_48 = vector.load %arg8[%get3A_46, %get3A_47] : memref<1x256xf32, #tpu.memory_space<vmem>>, vector<1x256xf32>
    %add3A_49 = vector.broadcast %get3A_48 : vector<1x256xf32> to vector<4096x256xf32>
    %add3A_50 = arith.addf %dot_general3A_45, %add3A_49 : vector<4096x256xf32>
    %max3A_51 = arith.constant 0.000000e+00 : f32
    %max3A_52 = vector.broadcast %max3A_51 : f32 to vector<4096x256xf32>
    %max3A_53 = arith.maximumf %add3A_50, %max3A_52 : vector<4096x256xf32>
    %convert_element_type3A_54 = arith.truncf %max3A_53 : vector<4096x256xf32> to vector<4096x256xbf16>
    %get3A_55 = arith.constant 0 : index
    %get3A_56 = arith.constant 0 : index
    %get3A_57 = vector.load %arg9[%get3A_55, %get3A_56] : memref<256x128xf32, #tpu.memory_space<vmem>>, vector<256x128xf32>
    %convert_element_type3A_58 = arith.truncf %get3A_57 : vector<256x128xf32> to vector<256x128xbf16>
    %dot_general3A_59 = arith.constant dense<0.000000e+00> : vector<4096x128xf32>
    %dot_general3A_60 = tpu.matmul %convert_element_type3A_54, %convert_element_type3A_58, %dot_general3A_59 {dimension_numbers = #tpu.dot_dimension_numbers<[1], [0], [0], [1], [0, 0, 1, 1], [], []>, transpose_lhs_hint = false} : vector<4096x256xbf16>, vector<256x128xbf16>, vector<4096x128xf32> -> vector<4096x128xf32>
    %get3A_61 = arith.constant 0 : index
    %get3A_62 = arith.constant 0 : index
    %get3A_63 = vector.load %arg10[%get3A_61, %get3A_62] : memref<1x128xf32, #tpu.memory_space<vmem>>, vector<1x128xf32>
    %add3A_64 = vector.broadcast %get3A_63 : vector<1x128xf32> to vector<4096x128xf32>
    %add3A_65 = arith.addf %dot_general3A_60, %add3A_64 : vector<4096x128xf32>
    %mul3A_66 = arith.mulf %add3A_65, %add3A_65 : vector<4096x128xf32>
    %reduce_sum3A_67 = arith.constant dense<0.000000e+00> : vector<4096xf32>
    %reduce_sum3A_68 = vector.multi_reduction <add>, %mul3A_66, %reduce_sum3A_67 [1] : vector<4096x128xf32> to vector<4096xf32>
    %broadcast_in_dim3A_69 = vector.shape_cast %reduce_sum3A_68 : vector<4096xf32> to vector<4096x1xf32>
    %max3A_70 = arith.constant 9.99999996E-13 : f32
    %max3A_71 = vector.broadcast %max3A_70 : f32 to vector<4096x1xf32>
    %max3A_72 = arith.maximumf %broadcast_in_dim3A_69, %max3A_71 : vector<4096x1xf32>
    %rsqrt3A_73 = math.rsqrt %max3A_72 : vector<4096x1xf32>
    %mul3A_74 = vector.broadcast %rsqrt3A_73 : vector<4096x1xf32> to vector<4096x128xf32>
    %mul3A_75 = arith.mulf %add3A_65, %mul3A_74 : vector<4096x128xf32>
    %swap3A_76 = arith.constant 1 : index
    %swap3A_77 = arith.constant 0 : index
    %swap3A_78 = arith.constant 0 : index
    %swap3A_79 = vector.load %arg11[%swap3A_76, %swap3A_77, %swap3A_78] : memref<2x4096x128xf32, #tpu.memory_space<vmem>>, vector<1x4096x128xf32>
    %swap3A_80 = vector.shape_cast %swap3A_79 : vector<1x4096x128xf32> to vector<4096x128xf32>
    %swap3A_81 = vector.shape_cast %mul3A_75 : vector<4096x128xf32> to vector<1x4096x128xf32>
    tpu.vector_store %arg11[%swap3A_76, %swap3A_77, %swap3A_78], %swap3A_81 {strides = array<i32>} : memref<2x4096x128xf32, #tpu.memory_space<vmem>>, vector<1x4096x128xf32>,
    return
  }
  func.func @transform_0(%arg0: i32) -> (i32, i32) {
    %c0_i32 = arith.constant 0 : i32
    %c0_i32_0 = arith.constant 0 : i32
    return %arg0, %c0_i32 : i32, i32
  }
  func.func @transform_1(%arg0: i32) -> (i32, i32) {
    %add3A = arith.constant 4 : i32
    %add3A_0 = arith.addi %add3A, %arg0 : i32
    %c0_i32 = arith.constant 0 : i32
    %c0_i32_1 = arith.constant 0 : i32
    return %add3A_0, %c0_i32 : i32, i32
  }
  func.func @transform_2(%arg0: i32) -> (i32, i32) {
    %c0_i32 = arith.constant 0 : i32
    %c0_i32_0 = arith.constant 0 : i32
    %c0_i32_1 = arith.constant 0 : i32
    return %c0_i32, %c0_i32_0 : i32, i32
  }
  func.func @transform_3(%arg0: i32) -> (i32, i32) {
    %c0_i32 = arith.constant 0 : i32
    %c0_i32_0 = arith.constant 0 : i32
    %c0_i32_1 = arith.constant 0 : i32
    return %c0_i32, %c0_i32_0 : i32, i32
  }
  func.func @transform_4(%arg0: i32) -> (i32, i32) {
    %c0_i32 = arith.constant 0 : i32
    %c0_i32_0 = arith.constant 0 : i32
    %c0_i32_1 = arith.constant 0 : i32
    return %c0_i32, %c0_i32_0 : i32, i32
  }
  func.func @transform_5(%arg0: i32) -> (i32, i32) {
    %c0_i32 = arith.constant 0 : i32
    %c0_i32_0 = arith.constant 0 : i32
    %c0_i32_1 = arith.constant 0 : i32
    return %c0_i32, %c0_i32_0 : i32, i32
  }
  func.func @transform_6(%arg0: i32) -> (i32, i32) {
    %c0_i32 = arith.constant 0 : i32
    %c0_i32_0 = arith.constant 0 : i32
    %c0_i32_1 = arith.constant 0 : i32
    return %c0_i32, %c0_i32_0 : i32, i32
  }
  func.func @transform_7(%arg0: i32) -> (i32, i32) {
    %c0_i32 = arith.constant 0 : i32
    %c0_i32_0 = arith.constant 0 : i32
    %c0_i32_1 = arith.constant 0 : i32
    return %c0_i32, %c0_i32_0 : i32, i32
  }
  func.func @transform_8(%arg0: i32) -> (i32, i32) {
    %c0_i32 = arith.constant 0 : i32
    %c0_i32_0 = arith.constant 0 : i32
    %c0_i32_1 = arith.constant 0 : i32
    return %c0_i32, %c0_i32_0 : i32, i32
  }
  func.func @transform_9(%arg0: i32) -> (i32, i32) {
    %c0_i32 = arith.constant 0 : i32
    %c0_i32_0 = arith.constant 0 : i32
    %c0_i32_1 = arith.constant 0 : i32
    return %c0_i32, %c0_i32_0 : i32, i32
  }
  func.func @transform_10(%arg0: i32) -> (i32, i32, i32) {
    %c0_i32 = arith.constant 0 : i32
    %c0_i32_0 = arith.constant 0 : i32
    %c0_i32_1 = arith.constant 0 : i32
    return %c0_i32, %arg0, %c0_i32_0 : i32, i32, i32
  }
}

</mosaic_0001>

<sc_bundles>
// kernel: kernel.4.cloned.1.call-start
scs
__scs_entry_jumppad:
0x0: {  	(pc) =	sbr.rel $0x88, $3  }
0x1: {  	(tag) =	ssettag $0x0;
	lr =	simm.s32 $0x1  }
0x2: {  	[smem:$0x3F95] =	sst lr;
	_ =	strace $0xD0000000  }
0x3: {  	_ = 	snop  }
0x4: {  	_ = 	snop  }
0x5: {  	_ = 	snop  }
0x6: {  	_ = 	snop  }
0x7: {  	_ = 	snop  }
__scs_overlays_trampoline_lowered:
0x8: {  	[smem:$0x3FA4] =	sst s0  }
0x9: {  	[smem:$0x3FA5] =	sst s1  }
0xa: {  	[smem:$0x3FA6] =	sst s2  }
0xb: {  	[smem:$0x3FA7] =	sst s3  }
0xc: {  	[smem:$0x3FA8] =	sst s4  }
0xd: {  	[smem:$0x3FA9] =	sst s5  }
0xe: {  	[smem:$0x3FAA] =	sst s6  }
0xf: {  	[smem:$0x3FAB] =	sst s7  }
0x10: {  	[smem:$0x3FAC] =	sst s8  }
0x11: {  	[smem:$0x3FAD] =	sst s9;
	s0 =	simm.s32 @!p0 $0x0  }
0x12: {  	s1 =	sld [smem:$0x3F93];
	s0 =	simm.s32 @p0 $0x1  }
0x13: {  	[smem:$0x3FAE] =	sst s0;
	s0 =	simm.s32 @!p1 $0x0  }
0x14: {  	s2 =	sld [smem:$0x3F92];
	s0 =	simm.s32 @p1 $0x1  }
0x15: {  	[smem:$0x3FAF] =	sst s0;
	s0 =	simm.s32 @!p2 $0x0  }
0x16: {  	s3 =	sld [smem:$0x3FDB];
	s0 =	simm.s32 @p2 $0x1  }
0x17: {  	s4 =	simm.s32 $0x1BF5;
	[smem:$0x3FB1] =	sst s0  }
0x18: {  	s0 =	sld [smem:$0x3F94];
	_ =	swait.ge [sflag:s4], $0x0  }
0x19: {  	s7 =	sld [smem:$0x3F95]  }
0x1a: {  	s8 =	sadd.s32 $0xFFFFE003, lr  }
0x1b: {  	s9 =	sadd.s32 $0xFFFFFEF7, lr;
	s5 =	simm.s32 $0xFFFFFFFF;
	p2 =	slt.u32 s8, $0xFFFFF086  }
0x1c: {  	p1 =	slt.u32 s9, $0xF7A;
	s5 =	simm.s32 @!p2 $0x0  }
0x1d: {  	s5 =	simm.s32 @p1 $0x1;
	p0 =	seq.s32 s7, s2  }
0x1e: {  	s7 =	smul.u32 @!p0 $0xF7A, s2;
	p2 =	seq.s32 @!p0 s5, $0x0  }
0x1f: {  	s9 =	smul.u32 $0xF7A, s1;
	s8 =	simm.s32 @!p0 $0x1BF5;
	p2 =	por !p2, p0  }
0x20: {  	[sflag:s8] =	ssyncset.s32 @!p0 $0xFFFFF086;
	s6 =	sadd.s32 @!p0 s3, s7;
	s7 =	simm.s32 @!p0 $0x108  }
0x21: {  	s3 =	sadd.s32 s3, s9;
	s6 =	sadd.s32 @!p0 $0x88, s6;
	s7 =	simm.s32 @p2 $0x1082  }
0x22: {  	[simem:s7], [sflag:s8] =	dma.local @!p0 [hbm:s6], $0xF7A  }
0x23: {  	s9 =	sor.u32 $0xD0000000, s2;
	s6 =	simm.s32 $0x108;
	_ =	swait.ge @!p0 [sflag:s8], $0x0  }
0x24: {  	s3 =	sadd.s32 $0x88, s3;
	s6 =	simm.s32 @!p1 $0x1082;
	[sflag:s4] =	ssyncset.s32 $0xFFFFF086  }
0x25: {  	[simem:s6], [sflag:s4] =	dma.local [hbm:s3], $0xF7A  }
0x26: {  	[smem:$0x3F95] =	sst s1;
	(tag) =	ssettag s2;
	_ =	strace s9  }
0x27: {  	s1 =	sld [smem:$0x3FA5]  }
0x28: {  	s2 =	sld [smem:$0x3FA6]  }
0x29: {  	s4 =	sld [smem:$0x3FA8]  }
0x2a: {  	p0 =	seq.s32 s5, $0x0;
	s5 =	sld [smem:$0x3FA9]  }
0x2b: {  	s6 =	sld [smem:$0x3FAA]  }
0x2c: {  	s7 =	sld [smem:$0x3FAB]  }
0x2d: {  	s3 =	simm.s32 $0x108;
	s8 =	sld [smem:$0x3FAC]  }
0x2e: {  	s3 =	simm.s32 @!p0 $0x1082;
	s9 =	sld [smem:$0x3FAD]  }
0x2f: {  	lr =	sadd.s32 s0, s3;
	s0 =	sld [smem:$0x3FA4]  }
0x30: {  	s3 =	sld [smem:$0x3FA7]  }
0x31: {  	[smem:$0x3FB0] =	sst s10  }
0x32: {  	s10 =	sld [smem:$0x3FAE];
	_ =	sdelay $0x3  }
0x33: {  	p0 =	seq.s32 s10, $0x1;
	s10 =	sld [smem:$0x3FB0];
	_ =	sdelay $0x3  }
0x34: {  	[smem:$0x3FB0] =	sst s10  }
0x35: {  	s10 =	sld [smem:$0x3FAF];
	_ =	sdelay $0x3  }
0x36: {  	p1 =	seq.s32 s10, $0x1;
	s10 =	sld [smem:$0x3FB0];
	_ =	sdelay $0x3  }
0x37: {  	[smem:$0x3FB0] =	sst s10  }
0x38: {  	s10 =	sld [smem:$0x3FB1]  }
0x39: {  	_ = 	snop;
	(pc) =	sbr.ind lr, $3  }
0x3a: {  	_ = 	snop  }
0x3b: {  	_ = 	snop  }
0x3c: {  	p2 =	seq.s32 s10, $0x1;
	s10 =	sld [smem:$0x3FB0]  }
0x3d: {  	_ =	shalt  }
0x3e: {  	_ =	shalt  }
0x3f: {  	_ =	shalt  }
0x40: {  	_ =	shalt  }
0x41: {  	_ =	shalt  }
0x42: {  	_ =	shalt  }
0x43: {  	_ =	shalt  }
0x44: {  	_ =	shalt  }
0x45: {  	_ =	shalt  }
0x46: {  	_ =	shalt  }
0x47: {  	_ =	shalt  }
0x48: {  	_ =	shalt  }
0x49: {  	_ =	shalt  }
0x4a: {  	_ =	shalt  }
0x4b: {  	_ =	shalt  }
0x4c: {  	_ =	shalt  }
0x4d: {  	_ =	shalt  }
0x4e: {  	_ =	shalt  }
0x4f: {  	_ =	shalt  }
0x50: {  	_ =	shalt  }
0x51: {  	_ =	shalt  }
0x52: {  	_ =	shalt  }
0x53: {  	_ =	shalt  }
0x54: {  	_ =	shalt  }
0x55: {  	_ =	shalt  }
0x56: {  	_ =	shalt  }
0x57: {  	_ =	shalt  }
0x58: {  	_ =	shalt  }
0x59: {  	_ =	shalt  }
0x5a: {  	_ =	shalt  }
0x5b: {  	_ =	shalt  }
0x5c: {  	_ =	shalt  }
0x5d: {  	_ =	shalt  }
0x5e: {  	_ =	shalt  }
0x5f: {  	_ =	shalt  }
0x60: {  	_ =	shalt  }
0x61: {  	_ =	shalt  }
0x62: {  	_ =	shalt  }
0x63: {  	_ =	shalt  }
0x64: {  	_ =	shalt  }
0x65: {  	_ =	shalt  }
0x66: {  	_ =	shalt  }
0x67: {  	_ =	shalt  }
0x68: {  	_ =	shalt  }
0x69: {  	_ =	shalt  }
0x6a: {  	_ =	shalt  }
0x6b: {  	_ =	shalt  }
0x6c: {  	_ =	shalt  }
0x6d: {  	_ =	shalt  }
0x6e: {  	_ =	shalt  }
0x6f: {  	_ =	shalt  }
0x70: {  	_ =	shalt  }
0x71: {  	_ =	shalt  }
0x72: {  	_ =	shalt  }
0x73: {  	_ =	shalt  }
0x74: {  	_ =	shalt  }
0x75: {  	_ =	shalt  }
0x76: {  	_ =	shalt  }
0x77: {  	_ =	shalt  }
0x78: {  	_ =	shalt  }
0x79: {  	_ =	shalt  }
0x7a: {  	_ =	shalt  }
0x7b: {  	_ =	shalt  }
0x7c: {  	_ =	shalt  }
0x7d: {  	_ =	shalt  }
0x7e: {  	_ =	shalt  }
0x7f: {  	_ =	shalt  }
0x80: {  	_ =	shalt  }
0x81: {  	_ =	shalt  }
0x82: {  	_ =	shalt  }
0x83: {  	_ =	shalt  }
0x84: {  	_ =	shalt  }
0x85: {  	_ =	shalt  }
0x86: {  	_ =	shalt  }
0x87: {  	_ =	shalt  }
.Lfunc_end0:
.L_simem_size_0:
called_computation_lowered:
.L_overlay_start_0:
0x88: {  	s2 =	sld [smem:$0x3FD9]  }
0x89: {  	s3 =	sld [smem:$0x3FFE];
	_ =	sdelay $0x1  }
0x8a: {  	s1 =	srdreg.scid  }
0x8b: {  	s0 =	sand.u32 $0x1, s1  }
0x8c: {  	s18 =	sshll.u32 s0, $0xA;
	s2 =	sadd.s32 s3, s2  }
0x8d: {  	s2 =	sadd.s32 s2, s18  }
0x8e: {  	[smem:$0x3FBC] =	sst s2  }
0x8f: {  	_ = 	snop  }
0x90: {  	s2 =	sld [smem:$0x3FC9]  }
0x91: {  	s19 =	sld [smem:$0x3FC8]  }
0x92: {  	s4 =	sld [smem:$0x3FC7]  }
0x93: {  	s5 =	sld [smem:$0x3FC6]  }
0x94: {  	s6 =	sld [smem:$0x3FD0];
	(tm) =	ssettm $0x1  }
0x95: {  	s7 =	sld [smem:$0x3FFB];
	_ =	sdelay $0x3  }
0x96: {  	_ =	strace s7  }
0x97: {  	s7 =	sld [smem:$0x3FFC];
	_ =	sdelay $0x3  }
0x98: {  	_ =	strace s7  }
0x99: {  	s7 =	sld [smem:$0x3FFD];
	_ =	sdelay $0x3  }
0x9a: {  	_ =	strace s7  }
0x9b: {  	_ =	strace $0x8FFFFFFF  }
0x9c: {  	s20 =	sld [smem:$0x3FDB];
	_ =	sdelay $0x1  }
0x9d: {  	s8 =	simm.s32 $_scs_section_size  }
0x9e: {  	s9 =	simm.s32 $_size__tile_overlayer_lowered;
	s10 =	simm.s32 $_tile_overlayer_lowered  }
0x9f: {  	s23 =	simm.s32 $0x1BFF;
	s22 =	sshll.u32 s10, $0x1;
	s7 =	sadd.s32 s8, s20  }
0xa0: {  	s11 =	simm.s32 $0x0;
	s21 =	sshll.u32 s9, $0x1;
	s9 =	sadd.s32 s22, s7  }
0xa1: {  	[timem:s11], [sflag:s23] =	dma.local [hbm:s9], s21  }
0xa2: {  	_ =	swait.ge [sflag:s23], s21  }
0xa3: {  	s8 =	ssub.s32 $0x0, s21;
	[sflag:s23] =	ssyncset.done $0x0  }
0xa4: {  	[sflag:s23] =	ssyncadd.s32 s8;
	_ =	sdelay $0x1  }
0xa5: {  	s24 =	simm.s32 $0x1B8B  }
0xa6: {  	_ =	swait.ge [sflag:s24], $0x1  }
0xa7: {  	[sflag:s24] =	ssyncset.done $0x0  }
0xa8: {  	s25 =	simm.s32 $0x1B8E;
	[sflag:s24] =	ssyncadd.s32 $0xFFFFFFFF  }
0xa9: {  	s26 =	simm.s32 $execute0_lowered;
	[smem:$0x3FD2] =	sst s25  }
0xaa: {  	s8 =	sshll.u32 s26, $0x1;
	_ =	strace $0x80000046;
	[dreg:$0x1] =	wrdreg $0xFFFFFFFF  }
0xab: {  	s28 =	simm.s32 $_size_execute0_lowered;
	s7 =	sadd.s32 s7, s8;
	[dreg:$0x0] =	wrdreg $0x0  }
0xac: {  	s8 =	sshll.u32 s28, $0x1;
	[dreg:$0x2] =	wrdreg s7  }
0xad: {  	[dreg:$0x3] =	wrdreg s8  }
0xae: {  	[dreg:$0x4] =	wrdreg $0xC0  }
0xaf: {  	_ =	task [dreg:s11], $0x5FFFF  }
0xb0: {  	[dreg:$0x1] =	wrdreg $0xFFFFFFFF  }
0xb1: {  	[dreg:$0x0] =	wrdreg $0x60  }
0xb2: {  	[dreg:$0x2] =	wrdreg s2  }
0xb3: {  	[dreg:$0x3] =	wrdreg s19  }
0xb4: {  	[dreg:$0x4] =	wrdreg s4  }
0xb5: {  	[dreg:$0x5] =	wrdreg s5  }
0xb6: {  	[dreg:$0x6] =	wrdreg s6  }
0xb7: {  	[dreg:$0x7] =	wrdreg $0x9  }
0xb8: {  	_ =	task.clear_ibuf [dreg:s11], $0x8FFFF;
	_ =	strace $0x90000046  }
0xb9: {  	s29 =	simm.s32 $0x9;
	_ =	strace $0x80000048  }
0xba: {  	_ =	swait.ge [sflag:s29], $0x1  }
0xbb: {  	[sflag:s29] =	ssyncadd.s32 $0xFFFFFFFF  }
0xbc: {  	_ =	strace $0x90000048  }
0xbd: {  	_ =	sfence  }
0xbe: {  	s30 =	sld [smem:$0x0];
	_ =	sdelay $0x2  }
0xbf: {  	s31 =	sshll.u32 s1, $0xD;
	s1 =	sshrl.u32 s1, $0x2  }
0xc0: {  	s3 =	sand.u32 $0x4000, s31;
	s1 =	sadd.s32 s1, s30  }
0xc1: {  	s0 =	sor.u32 s3, s0;
	s1 =	sshll.u32 s1, $0x11  }
0xc2: {  	s0 =	sor.u32 s1, s0  }
0xc3: {  	s0 =	sadd.s32 $0x8F2B, s0  }
0xc4: {  	[sflag:s0] =	ssyncadd.remote.s32 $0x1  }
0xc5: {  	_ =	sfence.sel $0xFFFF  }
0xc6: {  	[dreg:$0x0] =	wrdreg $0xFFFFFFFF;
	(pc) =	sbr.abs _section_cstart, $3  }
0xc7: {  	[dreg:$0x1] =	wrdreg $0xFFFFFFFF  }
0xc8: {  	_ =	task.clear_ibuf [dreg:s11], $0x2FFFF;
	_ =	strace $0x9FFFFFFF  }
0xc9: {  	(tm) =	ssettm $0x7FFFFFFF  }
tec
execute0_lowered:
.L_overlay_start_1:
0x0: {  	(tag) =	ssettag $0x1  }
0x1: {  	s5 =	rddreg [dreg:$0x0]  }
0x2: {  	s6 =	rddreg [dreg:$0x1]  }
0x3: {  	s2 =	rddreg [dreg:$0x2];
	s4 =	srdreg.scid  }
0x4: {  	s3 =	rddreg [dreg:$0x3];
	s1 =	stileid.u32;
	s30 =	sand.u32 $0x1, s4  }
0x5: {  	s4 =	simm.s32 $0x0;
	s7 =	sshll.u32 s1, $0x7;
	s8 =	sshll.u32 s30, $0x6  }
0x6: {  	[smem:$0x7FF] =	sst s4;
	s7 =	sor.u32 s8, s7  }
0x7: {  	s18 =	rddreg [dreg:$0x4];
	_ =	strace $0x80000047;
	s5 =	sadd.s32 s5, s7  }
0x8: {  	[tilespmem:s4], [sflag:$0x4] =	stream.linear.gather [hbm4b:s5+s4], $0x200, $0x38;
	[tilespmem:$0x18400] =	vst v63  }
0x9: {  	s8 =	simm.s32 $0x200;
	s6 =	sadd.s32 s6, s7;
	s7 =	simm.s32 $0x4  }
0xa: {  	[tilespmem:s8], [sflag:$0x5] =	stream.linear.gather [hbm4b:s6+s4], $0x200, $0x38;
	[tilespmem:$0x18400] =	vst v63  }
0xb: {  	_ =	swait.ge [sflag:s7], $0x200  }
0xc: {  	[sflag:s7] =	ssyncset.done $0x0  }
0xd: {  	s9 =	simm.s32 $0x5;
	[sflag:s7] =	ssyncadd.s32 $0xFFFFFE00  }
0xe: {  	_ =	swait.ge [sflag:s9], $0x200  }
0xf: {  	[sflag:s9] =	ssyncset.done $0x0  }
0x10: {  	s10 =	simm.s32 $0x80;
	s11 =	simm.s32 $0x400;
	[sflag:s9] =	ssyncadd.s32 $0xFFFFFE00  }
0x11: {  	[tilespmem:s11], [sflag:$0x1] =	stream.indirect.gather [hbm4b:s2+s10], $0x80, s4, s10, $0xb8;
	[tilespmem:$0x18400] =	vst v63  }
0x12: {  	s12 =	simm.s32 $0x4400  }
0x13: {  	[tilespmem:s12], [sflag:$0x1] =	stream.indirect.gather [hbm4b:s2+s10], $0x80, s10, s10, $0xb8;
	[tilespmem:$0x18400] =	vst v63  }
0x14: {  	s13 =	simm.s32 $0x100;
	s14 =	simm.s32 $0x8400  }
0x15: {  	[tilespmem:s14], [sflag:$0x2] =	stream.indirect.gather [hbm4b:s2+s10], $0x80, s13, s10, $0xb8;
	[tilespmem:$0x18400] =	vst v63  }
0x16: {  	s15 =	simm.s32 $0x180;
	s16 =	simm.s32 $0xC400;
	s17 =	simm.s32 $0x1  }
0x17: {  	[tilespmem:s16], [sflag:$0x2] =	stream.indirect.gather [hbm4b:s2+s10], $0x80, s15, s10, $0xb8;
	[tilespmem:$0x18400] =	vst v63  }
0x18: {  	_ =	swait.ge [sflag:s17], $0x4000  }
0x19: {  	[sflag:s17] =	ssyncset.done $0x0  }
0x1a: {  	[sflag:s17] =	ssyncadd.s32 $0xFFFFC000  }
0x1b: {  	s19 =	sshll.u32 s1, $0xE;
	s20 =	sshll.u32 s30, $0xD;
	_ =	swait.ge [sflag:s17], $0x4000  }
0x1c: {  	s19 =	sor.u32 s20, s19;
	[sflag:s17] =	ssyncset.done $0x0  }
0x1d: {  	s18 =	sadd.s32 s18, s19;
	[sflag:s17] =	ssyncadd.s32 $0xFFFFC000  }
0x1e: {  	[hbm4b:s18+s4] =	stream.linear.scatter [tilespmem:s11], [sflag:$0x4], $0x8000, $0x38;
	[tilespmem:$0x18400] =	vst v63  }
0x1f: {  	s19 =	simm.s32 $0x10400  }
0x20: {  	[tilespmem:s19], [sflag:$0x3] =	stream.indirect.gather [hbm4b:s3+s10], $0x80, s8, s10, $0xb8;
	[tilespmem:$0x18400] =	vst v63  }
0x21: {  	s21 =	simm.s32 $0x14400;
	s22 =	simm.s32 $0x2;
	s20 =	simm.s32 $0x280  }
0x22: {  	[tilespmem:s21], [sflag:$0x3] =	stream.indirect.gather [hbm4b:s3+s10], $0x80, s20, s10, $0xb8;
	[tilespmem:$0x18400] =	vst v63  }
0x23: {  	_ =	swait.ge [sflag:s22], $0x4000  }
0x24: {  	[sflag:s22] =	ssyncset.done $0x0  }
0x25: {  	[sflag:s22] =	ssyncadd.s32 $0xFFFFC000  }
0x26: {  	_ =	swait.ge [sflag:s22], $0x4000  }
0x27: {  	[sflag:s22] =	ssyncset.done $0x0  }
0x28: {  	s23 =	sadd.s32 $0x1000, s18;
	[sflag:s22] =	ssyncadd.s32 $0xFFFFC000  }
0x29: {  	[hbm4b:s23+s4] =	stream.linear.scatter [tilespmem:s14], [sflag:$0x5], $0x8000, $0x38;
	[tilespmem:$0x18400] =	vst v63  }
0x2a: {  	_ =	swait.ge [sflag:s7], $0x8000  }
0x2b: {  	[sflag:s7] =	ssyncset.done $0x0  }
0x2c: {  	s24 =	simm.s32 $0x300;
	[sflag:s7] =	ssyncadd.s32 $0xFFFF8000  }
0x2d: {  	[tilespmem:s11], [sflag:$0x1] =	stream.indirect.gather [hbm4b:s3+s10], $0x80, s24, s10, $0xb8;
	[tilespmem:$0x18400] =	vst v63  }
0x2e: {  	s25 =	simm.s32 $0x380;
	s26 =	simm.s32 $0x3  }
0x2f: {  	[tilespmem:s12], [sflag:$0x1] =	stream.indirect.gather [hbm4b:s3+s10], $0x80, s25, s10, $0xb8;
	[tilespmem:$0x18400] =	vst v63  }
0x30: {  	_ =	swait.ge [sflag:s26], $0x4000  }
0x31: {  	[sflag:s26] =	ssyncset.done $0x0  }
0x32: {  	[sflag:s26] =	ssyncadd.s32 $0xFFFFC000  }
0x33: {  	_ =	swait.ge [sflag:s26], $0x4000  }
0x34: {  	[sflag:s26] =	ssyncset.done $0x0  }
0x35: {  	s28 =	sadd.s32 $0x40000, s18;
	[sflag:s26] =	ssyncadd.s32 $0xFFFFC000  }
0x36: {  	[hbm4b:s28+s4] =	stream.linear.scatter [tilespmem:s19], [sflag:$0x6], $0x8000, $0x38;
	[tilespmem:$0x18400] =	vst v63  }
0x37: {  	_ =	swait.ge [sflag:s17], $0x4000  }
0x38: {  	[sflag:s17] =	ssyncset.done $0x0  }
0x39: {  	[sflag:s17] =	ssyncadd.s32 $0xFFFFC000  }
0x3a: {  	_ =	swait.ge [sflag:s17], $0x4000  }
0x3b: {  	s31 =	ssub.s32 $0x2, s30;
	[sflag:s17] =	ssyncset.done $0x0  }
0x3c: {  	s0 =	sshrl.u32 s31, $0x1;
	s29 =	sadd.s32 $0x41000, s18;
	[sflag:s17] =	ssyncadd.s32 $0xFFFFC000  }
0x3d: {  	[hbm4b:s29+s4] =	stream.linear.scatter [tilespmem:s11], [sflag:$0x4], $0x8000, $0x38;
	[tilespmem:$0x18400] =	vst v63  }
0x3e: {  	s0 =	ssub.s32 s31, s0;
	_ =	swait.ge [sflag:s9], $0x8000  }
0x3f: {  	s0 =	smax.u32 s0, $0x1;
	[sflag:s9] =	ssyncset.done $0x0  }
0x40: {  	s30 =	simm.s32 $0x6;
	p0 =	sne.s32 s0, $0x1;
	[sflag:s9] =	ssyncadd.s32 $0xFFFF8000  }
.Ltmp0:
0x41: {  	_ =	swait.ge [sflag:s30], $0x8000;
	(pc) =	sbr.rel @!p0 .LBB2_2-.Ltmp0, $4  }
0x42: {  	[sflag:s30] =	ssyncset.done $0x0  }
0x43: {  	[sflag:s30] =	ssyncadd.s32 $0xFFFF8000  }
0x44: {  	_ =	swait.ge [sflag:s7], $0x8000  }
0x45: {  	s31 =	sadd.s32 $0xFFFFFFFF, s0;
	[sflag:s7] =	ssyncset.done $0x0  }
.LBB2_1:
0x46: {  	p0 =	sne.s32 s31, $0x1;
	s31 =	sadd.s32 $0xFFFFFFFF, s31;
	[sflag:s7] =	ssyncadd.s32 $0xFFFF8000  }
0x47: {  	[tilespmem:s4], [sflag:$0x4] =	stream.linear.gather [hbm4b:s5+s4], $0x200, $0x38;
	[tilespmem:$0x18400] =	vst v63  }
0x48: {  	_ = 	snop  }
0x49: {  	[tilespmem:s8], [sflag:$0x5] =	stream.linear.gather [hbm4b:s6+s4], $0x200, $0x38;
	[tilespmem:$0x18400] =	vst v63  }
0x4a: {  	_ =	swait.ge [sflag:s7], $0x200  }
0x4b: {  	[sflag:s7] =	ssyncset.done $0x0  }
0x4c: {  	[sflag:s7] =	ssyncadd.s32 $0xFFFFFE00  }
0x4d: {  	_ =	swait.ge [sflag:s9], $0x200  }
0x4e: {  	[sflag:s9] =	ssyncset.done $0x0  }
0x4f: {  	[sflag:s9] =	ssyncadd.s32 $0xFFFFFE00  }
0x50: {  	[tilespmem:s11], [sflag:$0x1] =	stream.indirect.gather [hbm4b:s2+s10], $0x80, s4, s10, $0xb8;
	[tilespmem:$0x18400] =	vst v63  }
0x51: {  	_ = 	snop  }
0x52: {  	[tilespmem:s12], [sflag:$0x1] =	stream.indirect.gather [hbm4b:s2+s10], $0x80, s10, s10, $0xb8;
	[tilespmem:$0x18400] =	vst v63  }
0x53: {  	_ = 	snop  }
0x54: {  	[tilespmem:s14], [sflag:$0x2] =	stream.indirect.gather [hbm4b:s2+s10], $0x80, s13, s10, $0xb8;
	[tilespmem:$0x18400] =	vst v63  }
0x55: {  	_ = 	snop  }
0x56: {  	[tilespmem:s16], [sflag:$0x2] =	stream.indirect.gather [hbm4b:s2+s10], $0x80, s15, s10, $0xb8;
	[tilespmem:$0x18400] =	vst v63  }
0x57: {  	_ =	swait.ge [sflag:s17], $0x4000  }
0x58: {  	[sflag:s17] =	ssyncset.done $0x0  }
0x59: {  	[sflag:s17] =	ssyncadd.s32 $0xFFFFC000  }
0x5a: {  	_ =	swait.ge [sflag:s17], $0x4000  }
0x5b: {  	[sflag:s17] =	ssyncset.done $0x0  }
0x5c: {  	[sflag:s17] =	ssyncadd.s32 $0xFFFFC000  }
0x5d: {  	[hbm4b:s18+s4] =	stream.linear.scatter [tilespmem:s11], [sflag:$0x4], $0x8000, $0x38;
	[tilespmem:$0x18400] =	vst v63  }
0x5e: {  	_ = 	snop  }
0x5f: {  	[tilespmem:s19], [sflag:$0x3] =	stream.indirect.gather [hbm4b:s3+s10], $0x80, s8, s10, $0xb8;
	[tilespmem:$0x18400] =	vst v63  }
0x60: {  	_ = 	snop  }
0x61: {  	[tilespmem:s21], [sflag:$0x3] =	stream.indirect.gather [hbm4b:s3+s10], $0x80, s20, s10, $0xb8;
	[tilespmem:$0x18400] =	vst v63  }
0x62: {  	_ =	swait.ge [sflag:s22], $0x4000  }
0x63: {  	[sflag:s22] =	ssyncset.done $0x0  }
0x64: {  	[sflag:s22] =	ssyncadd.s32 $0xFFFFC000  }
0x65: {  	_ =	swait.ge [sflag:s22], $0x4000  }
0x66: {  	[sflag:s22] =	ssyncset.done $0x0  }
0x67: {  	[sflag:s22] =	ssyncadd.s32 $0xFFFFC000  }
0x68: {  	[hbm4b:s23+s4] =	stream.linear.scatter [tilespmem:s14], [sflag:$0x5], $0x8000, $0x38;
	[tilespmem:$0x18400] =	vst v63  }
0x69: {  	_ =	swait.ge [sflag:s7], $0x8000  }
0x6a: {  	[sflag:s7] =	ssyncset.done $0x0  }
0x6b: {  	[sflag:s7] =	ssyncadd.s32 $0xFFFF8000  }
0x6c: {  	[tilespmem:s11], [sflag:$0x1] =	stream.indirect.gather [hbm4b:s3+s10], $0x80, s24, s10, $0xb8;
	[tilespmem:$0x18400] =	vst v63  }
0x6d: {  	_ = 	snop  }
0x6e: {  	[tilespmem:s12], [sflag:$0x1] =	stream.indirect.gather [hbm4b:s3+s10], $0x80, s25, s10, $0xb8;
	[tilespmem:$0x18400] =	vst v63  }
0x6f: {  	_ =	swait.ge [sflag:s26], $0x4000  }
0x70: {  	[sflag:s26] =	ssyncset.done $0x0  }
0x71: {  	[sflag:s26] =	ssyncadd.s32 $0xFFFFC000  }
0x72: {  	_ =	swait.ge [sflag:s26], $0x4000  }
0x73: {  	[sflag:s26] =	ssyncset.done $0x0  }
0x74: {  	[sflag:s26] =	ssyncadd.s32 $0xFFFFC000  }
0x75: {  	[hbm4b:s28+s4] =	stream.linear.scatter [tilespmem:s19], [sflag:$0x6], $0x8000, $0x38;
	[tilespmem:$0x18400] =	vst v63  }
0x76: {  	_ =	swait.ge [sflag:s17], $0x4000  }
0x77: {  	[sflag:s17] =	ssyncset.done $0x0  }
0x78: {  	[sflag:s17] =	ssyncadd.s32 $0xFFFFC000  }
0x79: {  	_ =	swait.ge [sflag:s17], $0x4000  }
0x7a: {  	[sflag:s17] =	ssyncset.done $0x0  }
0x7b: {  	[sflag:s17] =	ssyncadd.s32 $0xFFFFC000  }
0x7c: {  	[hbm4b:s29+s4] =	stream.linear.scatter [tilespmem:s11], [sflag:$0x4], $0x8000, $0x38;
	[tilespmem:$0x18400] =	vst v63  }
0x7d: {  	_ =	swait.ge [sflag:s9], $0x8000  }
0x7e: {  	[sflag:s9] =	ssyncset.done $0x0  }
0x7f: {  	[sflag:s9] =	ssyncadd.s32 $0xFFFF8000  }
.Ltmp1:
0x80: {  	_ =	swait.ge [sflag:s30], $0x8000;
	(pc) =	sbr.rel @p0 .LBB2_1-.Ltmp1, $4  }
0x81: {  	[sflag:s30] =	ssyncset.done $0x0  }
0x82: {  	[sflag:s30] =	ssyncadd.s32 $0xFFFF8000  }
0x83: {  	_ =	swait.ge [sflag:s7], $0x8000  }
0x84: {  	[sflag:s7] =	ssyncset.done $0x0  }
.LBB2_2:
0x85: {  	[sflag:s7] =	ssyncadd.s32 $0xFFFF8000  }
0x86: {  	_ =	sfence.sel $0x180000  }
0x87: {  	[bflag:$0x0] =	sbarrier.arrive $0xFFFF  }
0x88: {  	_ =	strace $0x90000047  }
0x89: {  	[bflag:$0x2] =	sbarrier.arrive $0xFFFF  }
0x8a: {  	p0 =	sne.s32 s1, $0x0;
	s0 =	rddreg [dreg:$0x5]  }
0x8b: {  	s0 =	sadd.s32 @!p0 $0x100000, s0  }
0x8c: {  	[sflag:s0] =	ssyncadd.tile.s32 @!p0 $0x1;
	_ =	shalt  }
.Lfunc_end2:
_tile_overlayer_lowered:
.L_overlay_start_2:
0x8d: {  	(tag) =	ssettag $0x2  }
0x8e: {  	s0 =	rddreg [dreg:$0x0];
	s2 =	stileid.u32  }
0x8f: {  	s1 =	rddreg [dreg:$0x1];
	p0 =	sne.s32 s2, $0x0  }
0x90: {  	s3 =	rddreg [dreg:$0x2];
	[bflag:$0x3] =	sbarrier.arrive $0xFFFF;
	s2 =	simm.s32 @!p0 $0x1C07  }
0x91: {  	[timem:s3], [sflag:s2] =	dma.local @!p0 [hbm:s0], s1  }
0x92: {  	s0 =	simm.s32 @!p0 $0x7  }
0x93: {  	_ =	swait.ge @!p0 [sflag:s0], s1  }
0x94: {  	s1 =	ssub.s32 @!p0 $0x0, s1;
	[sflag:s0] =	ssyncset.done @!p0 $0x0  }
0x95: {  	[sflag:s0] =	ssyncadd.s32 @!p0 s1  }
0x96: {  	[bflag:$0x3] =	sbarrier.arrive $0xFFFF  }
0x97: {  	_ =	shalt  }

</sc_bundles>
